<compile_context>
chip_gen: v7x
topology: tpu7x:2x2x1
jax: 0.10.2.dev20260603
libtpu: 0.0.44.dev20260713+nightly
codegen_flags: <defaults>
</compile_context>

<pallas_src>
import jax
import jax.numpy as jnp
from jax import lax
from jax.experimental import pallas as pl
from jax.experimental.pallas import tpu as pltpu
from jax.experimental.pallas import tpu_sc as plsc

_NUM_CATEGORIES = 8
_CMDS_PER_CAT = 16
_NUM_COMMANDS = _NUM_CATEGORIES * _CMDS_PER_CAT
_BATCH = 16384
_LANES = 16
_NUM_WORKERS = 32
_ROWS_PER_TILE = _BATCH // _NUM_WORKERS
_GROUPS_PER_TILE = _ROWS_PER_TILE // _LANES
_CHUNKS = _NUM_COMMANDS // _LANES

_LN2 = 0.6931471805599453
_SQRT2 = 1.4142135623730951


def _ln(v):
    bits = plsc.bitcast(v, jnp.int32)
    e = lax.shift_right_arithmetic(bits, 23) - 127
    mant = plsc.bitcast(
        jnp.bitwise_or(jnp.bitwise_and(bits, 0x7FFFFF), 0x3F800000), jnp.float32
    )
    big = mant > jnp.float32(_SQRT2)
    mant = jnp.where(big, mant * jnp.float32(0.5), mant)
    e = e + jnp.where(big, 1, 0)
    z = (mant - 1.0) / (mant + 1.0)
    z2 = z * z
    p = jnp.full((_LANES,), 1.0 / 9.0, jnp.float32)
    for c in (1.0 / 7.0, 1.0 / 5.0, 1.0 / 3.0, 1.0):
        p = p * z2 + jnp.float32(c)
    return e.astype(jnp.float32) * jnp.float32(_LN2) + 2.0 * z * p


def _merge_top16(ak, av, bk, bv):
    take_a = ak >= bk
    return jnp.maximum(ak, bk), jnp.where(take_a, av, bv)


def _tile_body(logits_hbm, labels_hbm, cats_hbm, out_hbm,
               slab, lab_v, cat_v, catbuf, esumbuf, accbuf):
    nc = 2
    wid = lax.axis_index("s") * nc + lax.axis_index("c")
    base = wid * _ROWS_PER_TILE

    pltpu.sync_copy(
        logits_hbm.at[pl.ds(base * _NUM_COMMANDS, _ROWS_PER_TILE * _NUM_COMMANDS)],
        slab)
    pltpu.sync_copy(labels_hbm.at[pl.ds(base, _ROWS_PER_TILE)], lab_v)
    pltpu.sync_copy(cats_hbm.at[pl.ds(base, _ROWS_PER_TILE)], cat_v)

    iota = lax.iota(jnp.int32, _LANES)
    iota8 = iota * 8
    iota16 = iota * 16
    iota128 = iota * _NUM_COMMANDS
    top5_mask = iota < 5
    col_ids = [iota + c * _LANES for c in range(_CHUNKS)]
    zeros = jnp.zeros((_LANES,), jnp.float32)

    def group(g, carry):
        acc_cmd, acc_cat = carry
        r0 = g * _LANES

        for k in range(_NUM_CATEGORIES):
            catbuf[pl.ds(k * _LANES, _LANES)] = zeros

        def one_row(i):
            row = r0 + i
            rbase = row * _NUM_COMMANDS
            v = [slab[pl.ds(rbase + c * _LANES, _LANES)] for c in range(_CHUNKS)]

            e = [jnp.exp(vc) for vc in v]
            es = ((e[0] + e[1]) + (e[2] + e[3])) + ((e[4] + e[5]) + (e[6] + e[7]))
            esumbuf[pl.ds(i * _LANES, _LANES)] = plsc.cumsum(es)

            s = [plsc.sort_key_val(v[c], col_ids[c], descending=(c % 2 == 0))
                 for c in range(_CHUNKS)]
            l1 = [_merge_top16(*s[2 * p], *s[2 * p + 1]) for p in range(4)]
            l1 = [plsc.sort_key_val(k_, v_, descending=(p % 2 == 0))
                  for p, (k_, v_) in enumerate(l1)]
            l2 = [_merge_top16(*l1[0], *l1[1]), _merge_top16(*l1[2], *l1[3])]
            l2 = [plsc.sort_key_val(k_, v_, descending=(p % 2 == 0))
                  for p, (k_, v_) in enumerate(l2)]
            fk, fv = _merge_top16(*l2[0], *l2[1])
            fk, fv = plsc.sort_key_val(fk, fv, descending=True)

            cat_slot = jnp.bitwise_and(fv, -_LANES) + i
            plsc.addupdate_scatter(catbuf, [cat_slot], fk, mask=top5_mask)

        def two_rows(j, _):
            one_row(2 * j)
            one_row(2 * j + 1)
            return 0

        lax.fori_loop(0, _LANES // 2, two_rows, 0)

        esum = plsc.load_gather(esumbuf, [iota16 + 15])
        lse_cmd = _ln(esum)
        labv = lab_v[pl.ds(r0, _LANES)]
        x_lab = plsc.load_gather(slab, [iota128 + (r0 * _NUM_COMMANDS + labv)])
        acc_cmd = acc_cmd + (lse_cmd - x_lab)

        cat = [plsc.load_gather(catbuf, [iota + c * _LANES])
               for c in range(_NUM_CATEGORIES)]
        cmax = jnp.maximum(jnp.maximum(jnp.maximum(cat[0], cat[1]),
                                       jnp.maximum(cat[2], cat[3])),
                           jnp.maximum(jnp.maximum(cat[4], cat[5]),
                                       jnp.maximum(cat[6], cat[7])))
        ce = [jnp.exp(c_ - cmax) for c_ in cat]
        se = ((ce[0] + ce[1]) + (ce[2] + ce[3])) + ((ce[4] + ce[5]) + (ce[6] + ce[7]))
        lse_cat = cmax + _ln(se)
        clabv = cat_v[pl.ds(r0, _LANES)]
        x_cat = plsc.load_gather(catbuf, [iota + clabv * _LANES])
        acc_cat = acc_cat + (lse_cat - x_cat)
        return acc_cmd, acc_cat

    acc_cmd, acc_cat = lax.fori_loop(0, _GROUPS_PER_TILE, group, (zeros, zeros))
    accbuf[...] = 0.6 * acc_cmd + 0.4 * acc_cat
    pltpu.sync_copy(accbuf, out_hbm.at[wid])


@jax.jit
def kernel(logits, labels, category_labels):
    mesh = plsc.VectorSubcoreMesh(core_axis_name="c", subcore_axis_name="s")
    parts = pl.kernel(
        _tile_body,
        out_type=jax.ShapeDtypeStruct((_NUM_WORKERS, _LANES), jnp.float32),
        mesh=mesh,
        compiler_params=pltpu.CompilerParams(needs_layout_passes=False),
        scratch_types=[
            pltpu.VMEM((_ROWS_PER_TILE * _NUM_COMMANDS,), jnp.float32),
            pltpu.VMEM((_ROWS_PER_TILE,), jnp.int32),
            pltpu.VMEM((_ROWS_PER_TILE,), jnp.int32),
            pltpu.VMEM((_NUM_CATEGORIES * _LANES,), jnp.float32),
            pltpu.VMEM((_LANES * _LANES,), jnp.float32),
            pltpu.VMEM((_LANES,), jnp.float32),
        ],
    )(logits.reshape(-1), labels, category_labels)
    return jnp.sum(parts) * jnp.float32(1.0 / _BATCH)

# --- scband reference (transcript-rebuilt; emitter-appended) ---
"""Pipeline reference for scband-hierarchical-command-loss-90159953477789 (READ-ONLY COPY).

The authoritative reference and input builder live on the scoring server;
editing this copy changes nothing except your own understanding.
"""

import jax, jax.numpy as jnp
import numpy as np

NUM_CATEGORIES = 8
CMDS_PER_CAT = 16
NUM_COMMANDS = NUM_CATEGORIES * CMDS_PER_CAT
BATCH = 16384


def setup_inputs(seed: int = 0) -> dict:
    key = jax.random.key(seed)
    k1, k2, k3 = jax.random.split(key, 3)
    logits = jax.random.normal(k1, (BATCH, NUM_COMMANDS), dtype=jnp.float32)
    labels = jax.random.randint(k2, (BATCH,), 0, NUM_COMMANDS, dtype=jnp.int32)
    category_labels = jax.random.randint(k3, (BATCH,), 0, NUM_CATEGORIES, dtype=jnp.int32)
    return {"logits": logits, "labels": labels, "category_labels": category_labels}


def _cross_entropy(logits, targets):
    lp = jax.nn.log_softmax(logits, axis=-1)
    nll = -jnp.take_along_axis(lp, targets[:, None].astype(jnp.int32), axis=1)[:, 0]
    return jnp.mean(nll)


def _aggregate_category_logits(logits):
    # command index -> category index lookup (ranges of 16 commands per category)
    cmd_to_cat = jnp.repeat(jnp.arange(NUM_CATEGORIES, dtype=jnp.int32), CMDS_PER_CAT)
    k = min(5, logits.shape[1])
    vals, idx = jax.lax.top_k(logits, k)
    # cmd_idx_mod = cmd_idx % NUM_COMMANDS is identity since idx < NUM_COMMANDS
    cats = cmd_to_cat[idx]
    B = logits.shape[0]
    rows = jnp.broadcast_to(jnp.arange(B, dtype=jnp.int32)[:, None], (B, k))
    category_logits = jnp.zeros((B, NUM_CATEGORIES), dtype=logits.dtype)
    category_logits = category_logits.at[rows, cats].add(vals)
    return category_logits


def reference(logits, labels, category_labels):
    command_loss = _cross_entropy(logits, labels)
    category_logits = _aggregate_category_logits(logits)
    category_loss = _cross_entropy(category_logits, category_labels)
    total_loss = 0.6 * command_loss + 0.4 * category_loss
    return total_loss

if __name__ == "__main__":
    import jax
    _d = setup_inputs()
    print(jax.jit(kernel)(*tuple(_d.values())))

</pallas_src>

<mosaic_0001>
#map = affine_map<(d0, d1) -> (0)>
#map1 = affine_map<(d0, d1) -> (0, 0)>
module attributes {stable_mosaic.version = 14 : i64} {
  func.func @_tile_body(%arg0: i32, %arg1: i32, %arg2: memref<2097152xf32, #tpu.memory_space<hbm>>, %arg3: memref<16384xi32, #tpu.memory_space<hbm>>, %arg4: memref<16384xi32, #tpu.memory_space<hbm>>, %arg5: memref<32x16xf32, #tpu.memory_space<hbm>>, %arg6: memref<65536xf32, #tpu.memory_space<vmem>>, %arg7: memref<512xi32, #tpu.memory_space<vmem>>, %arg8: memref<512xi32, #tpu.memory_space<vmem>>, %arg9: memref<128xf32, #tpu.memory_space<vmem>>, %arg10: memref<256xf32, #tpu.memory_space<vmem>>, %arg11: memref<16xf32, #tpu.memory_space<vmem>>) attributes {dimension_semantics = [#tpu.dimension_semantics<core_parallel>, #tpu.dimension_semantics<subcore_parallel>], iteration_bounds = array<i64: 2, 16>, scalar_prefetch = 0 : i64, scratch_operands = 6 : i64, tpu.core_type = #tpu.core_type<sc_vector_subcore>, window_params = [{transform_indices = #map}, {transform_indices = #map}, {transform_indices = #map}, {transform_indices = #map1}]} {
    %mul3A = arith.constant 2 : i32
    %mul3A_0 = arith.muli %arg1, %mul3A : i32
    %add3A = arith.addi %mul3A_0, %arg0 : i32
    %mul3A_1 = arith.constant 512 : i32
    %mul3A_2 = arith.muli %add3A, %mul3A_1 : i32
    %mul3A_3 = arith.constant 128 : i32
    %mul3A_4 = arith.muli %mul3A_2, %mul3A_3 : i32
    "tpu.region"() ({
      %run_scoped3A = tpu.sem_alloc : memref<!tpu.dma_semaphore, #tpu.memory_space<semaphore_mem>>
      %dma_start3A = tpu.memref_slice %arg2[%mul3A_4] : memref<2097152xf32, #tpu.memory_space<hbm>> -> memref<65536xf32, #tpu.memory_space<hbm>>
      %dma_start3A_54 = tpu.memref_slice %arg2[%mul3A_4] : memref<2097152xf32, #tpu.memory_space<hbm>> -> memref<65536xf32, #tpu.memory_space<hbm>>
      tpu.enqueue_dma source(%dma_start3A_54 : memref<65536xf32, #tpu.memory_space<hbm>>) target(%arg6 : memref<65536xf32, #tpu.memory_space<vmem>>) target_semaphore(%run_scoped3A : memref<!tpu.dma_semaphore, #tpu.memory_space<semaphore_mem>>)
      %dma_wait3A = tpu.memref_slice %arg2[%mul3A_4] : memref<2097152xf32, #tpu.memory_space<hbm>> -> memref<65536xf32, #tpu.memory_space<hbm>>
      %dma_wait3A_55 = tpu.memref_slice %arg2[%mul3A_4] : memref<2097152xf32, #tpu.memory_space<hbm>> -> memref<65536xf32, #tpu.memory_space<hbm>>
      tpu.wait_dma2 semaphore(%run_scoped3A : memref<!tpu.dma_semaphore, #tpu.memory_space<semaphore_mem>>) src(%dma_wait3A_55 : memref<65536xf32, #tpu.memory_space<hbm>>) dst(%arg6 : memref<65536xf32, #tpu.memory_space<vmem>>)
      tpu.yield
    }) : () -> ()
    "tpu.region"() ({
      %run_scoped3A = tpu.sem_alloc : memref<!tpu.dma_semaphore, #tpu.memory_space<semaphore_mem>>
      %dma_start3A = tpu.memref_slice %arg3[%mul3A_2] : memref<16384xi32, #tpu.memory_space<hbm>> -> memref<512xi32, #tpu.memory_space<hbm>>
      %dma_start3A_54 = tpu.memref_slice %arg3[%mul3A_2] : memref<16384xi32, #tpu.memory_space<hbm>> -> memref<512xi32, #tpu.memory_space<hbm>>
      tpu.enqueue_dma source(%dma_start3A_54 : memref<512xi32, #tpu.memory_space<hbm>>) target(%arg7 : memref<512xi32, #tpu.memory_space<vmem>>) target_semaphore(%run_scoped3A : memref<!tpu.dma_semaphore, #tpu.memory_space<semaphore_mem>>)
      %dma_wait3A = tpu.memref_slice %arg3[%mul3A_2] : memref<16384xi32, #tpu.memory_space<hbm>> -> memref<512xi32, #tpu.memory_space<hbm>>
      %dma_wait3A_55 = tpu.memref_slice %arg3[%mul3A_2] : memref<16384xi32, #tpu.memory_space<hbm>> -> memref<512xi32, #tpu.memory_space<hbm>>
      tpu.wait_dma2 semaphore(%run_scoped3A : memref<!tpu.dma_semaphore, #tpu.memory_space<semaphore_mem>>) src(%dma_wait3A_55 : memref<512xi32, #tpu.memory_space<hbm>>) dst(%arg7 : memref<512xi32, #tpu.memory_space<vmem>>)
      tpu.yield
    }) : () -> ()
    "tpu.region"() ({
      %run_scoped3A = tpu.sem_alloc : memref<!tpu.dma_semaphore, #tpu.memory_space<semaphore_mem>>
      %dma_start3A = tpu.memref_slice %arg4[%mul3A_2] : memref<16384xi32, #tpu.memory_space<hbm>> -> memref<512xi32, #tpu.memory_space<hbm>>
      %dma_start3A_54 = tpu.memref_slice %arg4[%mul3A_2] : memref<16384xi32, #tpu.memory_space<hbm>> -> memref<512xi32, #tpu.memory_space<hbm>>
      tpu.enqueue_dma source(%dma_start3A_54 : memref<512xi32, #tpu.memory_space<hbm>>) target(%arg8 : memref<512xi32, #tpu.memory_space<vmem>>) target_semaphore(%run_scoped3A : memref<!tpu.dma_semaphore, #tpu.memory_space<semaphore_mem>>)
      %dma_wait3A = tpu.memref_slice %arg4[%mul3A_2] : memref<16384xi32, #tpu.memory_space<hbm>> -> memref<512xi32, #tpu.memory_space<hbm>>
      %dma_wait3A_55 = tpu.memref_slice %arg4[%mul3A_2] : memref<16384xi32, #tpu.memory_space<hbm>> -> memref<512xi32, #tpu.memory_space<hbm>>
      tpu.wait_dma2 semaphore(%run_scoped3A : memref<!tpu.dma_semaphore, #tpu.memory_space<semaphore_mem>>) src(%dma_wait3A_55 : memref<512xi32, #tpu.memory_space<hbm>>) dst(%arg8 : memref<512xi32, #tpu.memory_space<vmem>>)
      tpu.yield
    }) : () -> ()
    %iota3A = tpu.iota {dimensions = array<i32: 0>} : vector<16xi32>
    %mul3A_5 = arith.constant 8 : i32
    %mul3A_6 = vector.broadcast %mul3A_5 : i32 to vector<16xi32>
    %mul3A_7 = arith.muli %iota3A, %mul3A_6 : vector<16xi32>
    %mul3A_8 = arith.constant 16 : i32
    %mul3A_9 = vector.broadcast %mul3A_8 : i32 to vector<16xi32>
    %mul3A_10 = arith.muli %iota3A, %mul3A_9 : vector<16xi32>
    %mul3A_11 = arith.constant 128 : i32
    %mul3A_12 = vector.broadcast %mul3A_11 : i32 to vector<16xi32>
    %mul3A_13 = arith.muli %iota3A, %mul3A_12 : vector<16xi32>
    %lt3A = arith.constant 5 : i32
    %lt3A_14 = vector.broadcast %lt3A : i32 to vector<16xi32>
    %lt3A_15 = arith.cmpi slt, %iota3A, %lt3A_14 : vector<16xi32>
    %add3A_16 = arith.constant 0 : i32
    %add3A_17 = vector.broadcast %add3A_16 : i32 to vector<16xi32>
    %add3A_18 = arith.addi %iota3A, %add3A_17 : vector<16xi32>
    %add3A_19 = arith.constant 16 : i32
    %add3A_20 = vector.broadcast %add3A_19 : i32 to vector<16xi32>
    %add3A_21 = arith.addi %iota3A, %add3A_20 : vector<16xi32>
    %add3A_22 = arith.constant 32 : i32
    %add3A_23 = vector.broadcast %add3A_22 : i32 to vector<16xi32>
    %add3A_24 = arith.addi %iota3A, %add3A_23 : vector<16xi32>
    %add3A_25 = arith.constant 48 : i32
    %add3A_26 = vector.broadcast %add3A_25 : i32 to vector<16xi32>
    %add3A_27 = arith.addi %iota3A, %add3A_26 : vector<16xi32>
    %add3A_28 = arith.constant 64 : i32
    %add3A_29 = vector.broadcast %add3A_28 : i32 to vector<16xi32>
    %add3A_30 = arith.addi %iota3A, %add3A_29 : vector<16xi32>
    %add3A_31 = arith.constant 80 : i32
    %add3A_32 = vector.broadcast %add3A_31 : i32 to vector<16xi32>
    %add3A_33 = arith.addi %iota3A, %add3A_32 : vector<16xi32>
    %add3A_34 = arith.constant 96 : i32
    %add3A_35 = vector.broadcast %add3A_34 : i32 to vector<16xi32>
    %add3A_36 = arith.addi %iota3A, %add3A_35 : vector<16xi32>
    %add3A_37 = arith.constant 112 : i32
    %add3A_38 = vector.broadcast %add3A_37 : i32 to vector<16xi32>
    %add3A_39 = arith.addi %iota3A, %add3A_38 : vector<16xi32>
    %broadcast_in_dim3A = arith.constant 0.000000e+00 : f32
    %broadcast_in_dim3A_40 = vector.broadcast %broadcast_in_dim3A : f32 to vector<16xf32>
    %scan3A = arith.constant 0 : i32
    %scan3A_41 = arith.constant 32 : i32
    %scan3A_42 = arith.addi %scan3A, %scan3A_41 : i32
    %scan3A_43 = arith.constant 1 : i32
    %scan3A_44:2 = scf.for %scan3A_54 = %scan3A to %scan3A_42 step %scan3A_43 iter_args(%scan3A_55 = %broadcast_in_dim3A_40, %scan3A_56 = %broadcast_in_dim3A_40) -> (vector<16xf32>, vector<16xf32>)  : i32 {
      %mul3A_57 = arith.constant 16 : i32
      %mul3A_58 = arith.muli %scan3A_54, %mul3A_57 : i32
      %swap3A_59 = arith.constant 0 : index
      %swap3A_60 = tpu.vector_load %arg9[%swap3A_59] {strides = array<i32>} : memref<128xf32, #tpu.memory_space<vmem>>, vector<16xf32>,
      tpu.vector_store %arg9[%swap3A_59], %broadcast_in_dim3A_40 {strides = array<i32>} : memref<128xf32, #tpu.memory_space<vmem>>, vector<16xf32>,
      %swap3A_61 = arith.constant 16 : index
      %swap3A_62 = tpu.vector_load %arg9[%swap3A_61] {strides = array<i32>} : memref<128xf32, #tpu.memory_space<vmem>>, vector<16xf32>,
      tpu.vector_store %arg9[%swap3A_61], %broadcast_in_dim3A_40 {strides = array<i32>} : memref<128xf32, #tpu.memory_space<vmem>>, vector<16xf32>,
      %swap3A_63 = arith.constant 32 : index
      %swap3A_64 = tpu.vector_load %arg9[%swap3A_63] {strides = array<i32>} : memref<128xf32, #tpu.memory_space<vmem>>, vector<16xf32>,
      tpu.vector_store %arg9[%swap3A_63], %broadcast_in_dim3A_40 {strides = array<i32>} : memref<128xf32, #tpu.memory_space<vmem>>, vector<16xf32>,
      %swap3A_65 = arith.constant 48 : index
      %swap3A_66 = tpu.vector_load %arg9[%swap3A_65] {strides = array<i32>} : memref<128xf32, #tpu.memory_space<vmem>>, vector<16xf32>,
      tpu.vector_store %arg9[%swap3A_65], %broadcast_in_dim3A_40 {strides = array<i32>} : memref<128xf32, #tpu.memory_space<vmem>>, vector<16xf32>,
      %swap3A_67 = arith.constant 64 : index
      %swap3A_68 = tpu.vector_load %arg9[%swap3A_67] {strides = array<i32>} : memref<128xf32, #tpu.memory_space<vmem>>, vector<16xf32>,
      tpu.vector_store %arg9[%swap3A_67], %broadcast_in_dim3A_40 {strides = array<i32>} : memref<128xf32, #tpu.memory_space<vmem>>, vector<16xf32>,
      %swap3A_69 = arith.constant 80 : index
      %swap3A_70 = tpu.vector_load %arg9[%swap3A_69] {strides = array<i32>} : memref<128xf32, #tpu.memory_space<vmem>>, vector<16xf32>,
      tpu.vector_store %arg9[%swap3A_69], %broadcast_in_dim3A_40 {strides = array<i32>} : memref<128xf32, #tpu.memory_space<vmem>>, vector<16xf32>,
      %swap3A_71 = arith.constant 96 : index
      %swap3A_72 = tpu.vector_load %arg9[%swap3A_71] {strides = array<i32>} : memref<128xf32, #tpu.memory_space<vmem>>, vector<16xf32>,
      tpu.vector_store %arg9[%swap3A_71], %broadcast_in_dim3A_40 {strides = array<i32>} : memref<128xf32, #tpu.memory_space<vmem>>, vector<16xf32>,
      %swap3A_73 = arith.constant 112 : index
      %swap3A_74 = tpu.vector_load %arg9[%swap3A_73] {strides = array<i32>} : memref<128xf32, #tpu.memory_space<vmem>>, vector<16xf32>,
      tpu.vector_store %arg9[%swap3A_73], %broadcast_in_dim3A_40 {strides = array<i32>} : memref<128xf32, #tpu.memory_space<vmem>>, vector<16xf32>,
      %scan3A_75 = arith.constant 0 : i32
      %scan3A_76 = arith.constant 0 : i32
      %scan3A_77 = arith.constant 8 : i32
      %scan3A_78 = arith.addi %scan3A_76, %scan3A_77 : i32
      %scan3A_79 = arith.constant 1 : i32
      %scan3A_80 = scf.for %scan3A_278 = %scan3A_76 to %scan3A_78 step %scan3A_79 iter_args(%scan3A_279 = %scan3A_75) -> (i32)  : i32 {
        %mul3A_280 = arith.constant 2 : i32
        %mul3A_281 = arith.muli %mul3A_280, %scan3A_278 : i32
        %add3A_282 = arith.addi %mul3A_58, %mul3A_281 : i32
        %mul3A_283 = arith.constant 128 : i32
        %mul3A_284 = arith.muli %add3A_282, %mul3A_283 : i32
        %add3A_285 = arith.constant 0 : i32
        %add3A_286 = arith.addi %mul3A_284, %add3A_285 : i32
        %get3A_287 = arith.index_cast %add3A_286 : i32 to index
        %get3A_288 = tpu.vector_load %arg6[%get3A_287] {strides = array<i32>} : memref<65536xf32, #tpu.memory_space<vmem>>, vector<16xf32>,
        %add3A_289 = arith.constant 16 : i32
        %add3A_290 = arith.addi %mul3A_284, %add3A_289 : i32
        %get3A_291 = arith.index_cast %add3A_290 : i32 to index
        %get3A_292 = tpu.vector_load %arg6[%get3A_291] {strides = array<i32>} : memref<65536xf32, #tpu.memory_space<vmem>>, vector<16xf32>,
        %add3A_293 = arith.constant 32 : i32
        %add3A_294 = arith.addi %mul3A_284, %add3A_293 : i32
        %get3A_295 = arith.index_cast %add3A_294 : i32 to index
        %get3A_296 = tpu.vector_load %arg6[%get3A_295] {strides = array<i32>} : memref<65536xf32, #tpu.memory_space<vmem>>, vector<16xf32>,
        %add3A_297 = arith.constant 48 : i32
        %add3A_298 = arith.addi %mul3A_284, %add3A_297 : i32
        %get3A_299 = arith.index_cast %add3A_298 : i32 to index
        %get3A_300 = tpu.vector_load %arg6[%get3A_299] {strides = array<i32>} : memref<65536xf32, #tpu.memory_space<vmem>>, vector<16xf32>,
        %add3A_301 = arith.constant 64 : i32
        %add3A_302 = arith.addi %mul3A_284, %add3A_301 : i32
        %get3A_303 = arith.index_cast %add3A_302 : i32 to index
        %get3A_304 = tpu.vector_load %arg6[%get3A_303] {strides = array<i32>} : memref<65536xf32, #tpu.memory_space<vmem>>, vector<16xf32>,
        %add3A_305 = arith.constant 80 : i32
        %add3A_306 = arith.addi %mul3A_284, %add3A_305 : i32
        %get3A_307 = arith.index_cast %add3A_306 : i32 to index
        %get3A_308 = tpu.vector_load %arg6[%get3A_307] {strides = array<i32>} : memref<65536xf32, #tpu.memory_space<vmem>>, vector<16xf32>,
        %add3A_309 = arith.constant 96 : i32
        %add3A_310 = arith.addi %mul3A_284, %add3A_309 : i32
        %get3A_311 = arith.index_cast %add3A_310 : i32 to index
        %get3A_312 = tpu.vector_load %arg6[%get3A_311] {strides = array<i32>} : memref<65536xf32, #tpu.memory_space<vmem>>, vector<16xf32>,
        %add3A_313 = arith.constant 112 : i32
        %add3A_314 = arith.addi %mul3A_284, %add3A_313 : i32
        %get3A_315 = arith.index_cast %add3A_314 : i32 to index
        %get3A_316 = tpu.vector_load %arg6[%get3A_315] {strides = array<i32>} : memref<65536xf32, #tpu.memory_space<vmem>>, vector<16xf32>,
        %exp3A_317 = math.exp %get3A_288 : vector<16xf32>
        %exp3A_318 = math.exp %get3A_292 : vector<16xf32>
        %exp3A_319 = math.exp %get3A_296 : vector<16xf32>
        %exp3A_320 = math.exp %get3A_300 : vector<16xf32>
        %exp3A_321 = math.exp %get3A_304 : vector<16xf32>
        %exp3A_322 = math.exp %get3A_308 : vector<16xf32>
        %exp3A_323 = math.exp %get3A_312 : vector<16xf32>
        %exp3A_324 = math.exp %get3A_316 : vector<16xf32>
        %add3A_325 = arith.addf %exp3A_317, %exp3A_318 : vector<16xf32>
        %add3A_326 = arith.addf %exp3A_319, %exp3A_320 : vector<16xf32>
        %add3A_327 = arith.addf %add3A_325, %add3A_326 : vector<16xf32>
        %add3A_328 = arith.addf %exp3A_321, %exp3A_322 : vector<16xf32>
        %add3A_329 = arith.addf %exp3A_323, %exp3A_324 : vector<16xf32>
        %add3A_330 = arith.addf %add3A_328, %add3A_329 : vector<16xf32>
        %add3A_331 = arith.addf %add3A_327, %add3A_330 : vector<16xf32>
        %broadcast_in_dim3A_332 = arith.constant true
        %broadcast_in_dim3A_333 = vector.broadcast %broadcast_in_dim3A_332 : i1 to vector<16xi1>
        %masked_cumsum3A = tpu.scan <sum>, %add3A_331 masked %broadcast_in_dim3A_333 : vector<16xf32>, vector<16xi1> -> vector<16xf32>
        %mul3A_334 = arith.constant 16 : i32
        %mul3A_335 = arith.muli %mul3A_281, %mul3A_334 : i32
        %swap3A_336 = arith.index_cast %mul3A_335 : i32 to index
        %swap3A_337 = tpu.vector_load %arg10[%swap3A_336] {strides = array<i32>} : memref<256xf32, #tpu.memory_space<vmem>>, vector<16xf32>,
        tpu.vector_store %arg10[%swap3A_336], %masked_cumsum3A {strides = array<i32>} : memref<256xf32, #tpu.memory_space<vmem>>, vector<16xf32>,
        %masked_sort3A = arith.constant dense<true> : vector<16xi1>
        %masked_sort3A_338, %masked_sort3A_339, %masked_sort3A_340 = tpu.sort %get3A_288, %add3A_18 masked %masked_sort3A {descending = true} : (vector<16xf32>, vector<16xi32>, vector<16xi1>) -> (vector<16xi1>, vector<16xf32>, vector<16xi32>)
        %masked_sort3A_341 = arith.constant dense<true> : vector<16xi1>
        %masked_sort3A_342, %masked_sort3A_343, %masked_sort3A_344 = tpu.sort %get3A_292, %add3A_21 masked %masked_sort3A_341 : (vector<16xf32>, vector<16xi32>, vector<16xi1>) -> (vector<16xi1>, vector<16xf32>, vector<16xi32>)
        %masked_sort3A_345 = arith.constant dense<true> : vector<16xi1>
        %masked_sort3A_346, %masked_sort3A_347, %masked_sort3A_348 = tpu.sort %get3A_296, %add3A_24 masked %masked_sort3A_345 {descending = true} : (vector<16xf32>, vector<16xi32>, vector<16xi1>) -> (vector<16xi1>, vector<16xf32>, vector<16xi32>)
        %masked_sort3A_349 = arith.constant dense<true> : vector<16xi1>
        %masked_sort3A_350, %masked_sort3A_351, %masked_sort3A_352 = tpu.sort %get3A_300, %add3A_27 masked %masked_sort3A_349 : (vector<16xf32>, vector<16xi32>, vector<16xi1>) -> (vector<16xi1>, vector<16xf32>, vector<16xi32>)
        %masked_sort3A_353 = arith.constant dense<true> : vector<16xi1>
        %masked_sort3A_354, %masked_sort3A_355, %masked_sort3A_356 = tpu.sort %get3A_304, %add3A_30 masked %masked_sort3A_353 {descending = true} : (vector<16xf32>, vector<16xi32>, vector<16xi1>) -> (vector<16xi1>, vector<16xf32>, vector<16xi32>)
        %masked_sort3A_357 = arith.constant dense<true> : vector<16xi1>
        %masked_sort3A_358, %masked_sort3A_359, %masked_sort3A_360 = tpu.sort %get3A_308, %add3A_33 masked %masked_sort3A_357 : (vector<16xf32>, vector<16xi32>, vector<16xi1>) -> (vector<16xi1>, vector<16xf32>, vector<16xi32>)
        %masked_sort3A_361 = arith.constant dense<true> : vector<16xi1>
        %masked_sort3A_362, %masked_sort3A_363, %masked_sort3A_364 = tpu.sort %get3A_312, %add3A_36 masked %masked_sort3A_361 {descending = true} : (vector<16xf32>, vector<16xi32>, vector<16xi1>) -> (vector<16xi1>, vector<16xf32>, vector<16xi32>)
        %masked_sort3A_365 = arith.constant dense<true> : vector<16xi1>
        %masked_sort3A_366, %masked_sort3A_367, %masked_sort3A_368 = tpu.sort %get3A_316, %add3A_39 masked %masked_sort3A_365 : (vector<16xf32>, vector<16xi32>, vector<16xi1>) -> (vector<16xi1>, vector<16xf32>, vector<16xi32>)
        %ge3A = arith.cmpf oge, %masked_sort3A_339, %masked_sort3A_343 : vector<16xf32>
        %max3A_369 = arith.maximumf %masked_sort3A_339, %masked_sort3A_343 : vector<16xf32>
        %select_n3A_370 = arith.select %ge3A, %masked_sort3A_340, %masked_sort3A_344 : vector<16xi1>, vector<16xi32>
        %ge3A_371 = arith.cmpf oge, %masked_sort3A_347, %masked_sort3A_351 : vector<16xf32>
        %max3A_372 = arith.maximumf %masked_sort3A_347, %masked_sort3A_351 : vector<16xf32>
        %select_n3A_373 = arith.select %ge3A_371, %masked_sort3A_348, %masked_sort3A_352 : vector<16xi1>, vector<16xi32>
        %ge3A_374 = arith.cmpf oge, %masked_sort3A_355, %masked_sort3A_359 : vector<16xf32>
        %max3A_375 = arith.maximumf %masked_sort3A_355, %masked_sort3A_359 : vector<16xf32>
        %select_n3A_376 = arith.select %ge3A_374, %masked_sort3A_356, %masked_sort3A_360 : vector<16xi1>, vector<16xi32>
        %ge3A_377 = arith.cmpf oge, %masked_sort3A_363, %masked_sort3A_367 : vector<16xf32>
        %max3A_378 = arith.maximumf %masked_sort3A_363, %masked_sort3A_367 : vector<16xf32>
        %select_n3A_379 = arith.select %ge3A_377, %masked_sort3A_364, %masked_sort3A_368 : vector<16xi1>, vector<16xi32>
        %masked_sort3A_380 = arith.constant dense<true> : vector<16xi1>
        %masked_sort3A_381, %masked_sort3A_382, %masked_sort3A_383 = tpu.sort %max3A_369, %select_n3A_370 masked %masked_sort3A_380 {descending = true} : (vector<16xf32>, vector<16xi32>, vector<16xi1>) -> (vector<16xi1>, vector<16xf32>, vector<16xi32>)
        %masked_sort3A_384 = arith.constant dense<true> : vector<16xi1>
        %masked_sort3A_385, %masked_sort3A_386, %masked_sort3A_387 = tpu.sort %max3A_372, %select_n3A_373 masked %masked_sort3A_384 : (vector<16xf32>, vector<16xi32>, vector<16xi1>) -> (vector<16xi1>, vector<16xf32>, vector<16xi32>)
        %masked_sort3A_388 = arith.constant dense<true> : vector<16xi1>
        %masked_sort3A_389, %masked_sort3A_390, %masked_sort3A_391 = tpu.sort %max3A_375, %select_n3A_376 masked %masked_sort3A_388 {descending = true} : (vector<16xf32>, vector<16xi32>, vector<16xi1>) -> (vector<16xi1>, vector<16xf32>, vector<16xi32>)
        %masked_sort3A_392 = arith.constant dense<true> : vector<16xi1>
        %masked_sort3A_393, %masked_sort3A_394, %masked_sort3A_395 = tpu.sort %max3A_378, %select_n3A_379 masked %masked_sort3A_392 : (vector<16xf32>, vector<16xi32>, vector<16xi1>) -> (vector<16xi1>, vector<16xf32>, vector<16xi32>)
        %ge3A_396 = arith.cmpf oge, %masked_sort3A_382, %masked_sort3A_386 : vector<16xf32>
        %max3A_397 = arith.maximumf %masked_sort3A_382, %masked_sort3A_386 : vector<16xf32>
        %select_n3A_398 = arith.select %ge3A_396, %masked_sort3A_383, %masked_sort3A_387 : vector<16xi1>, vector<16xi32>
        %ge3A_399 = arith.cmpf oge, %masked_sort3A_390, %masked_sort3A_394 : vector<16xf32>
        %max3A_400 = arith.maximumf %masked_sort3A_390, %masked_sort3A_394 : vector<16xf32>
        %select_n3A_401 = arith.select %ge3A_399, %masked_sort3A_391, %masked_sort3A_395 : vector<16xi1>, vector<16xi32>
        %masked_sort3A_402 = arith.constant dense<true> : vector<16xi1>
        %masked_sort3A_403, %masked_sort3A_404, %masked_sort3A_405 = tpu.sort %max3A_397, %select_n3A_398 masked %masked_sort3A_402 {descending = true} : (vector<16xf32>, vector<16xi32>, vector<16xi1>) -> (vector<16xi1>, vector<16xf32>, vector<16xi32>)
        %masked_sort3A_406 = arith.constant dense<true> : vector<16xi1>
        %masked_sort3A_407, %masked_sort3A_408, %masked_sort3A_409 = tpu.sort %max3A_400, %select_n3A_401 masked %masked_sort3A_406 : (vector<16xf32>, vector<16xi32>, vector<16xi1>) -> (vector<16xi1>, vector<16xf32>, vector<16xi32>)
        %ge3A_410 = arith.cmpf oge, %masked_sort3A_404, %masked_sort3A_408 : vector<16xf32>
        %max3A_411 = arith.maximumf %masked_sort3A_404, %masked_sort3A_408 : vector<16xf32>
        %select_n3A_412 = arith.select %ge3A_410, %masked_sort3A_405, %masked_sort3A_409 : vector<16xi1>, vector<16xi32>
        %masked_sort3A_413 = arith.constant dense<true> : vector<16xi1>
        %masked_sort3A_414, %masked_sort3A_415, %masked_sort3A_416 = tpu.sort %max3A_411, %select_n3A_412 masked %masked_sort3A_413 {descending = true} : (vector<16xf32>, vector<16xi32>, vector<16xi1>) -> (vector<16xi1>, vector<16xf32>, vector<16xi32>)
        %and3A_417 = arith.constant -16 : i32
        %and3A_418 = vector.broadcast %and3A_417 : i32 to vector<16xi32>
        %and3A_419 = arith.andi %masked_sort3A_416, %and3A_418 : vector<16xi32>
        %add3A_420 = vector.broadcast %mul3A_281 : i32 to vector<16xi32>
        %add3A_421 = arith.addi %and3A_419, %add3A_420 : vector<16xi32>
        tpu.vector_store_idx %arg9[%add3A_421], %masked_sort3A_415 masked %lt3A_15 {add = true} : memref<128xf32, #tpu.memory_space<vmem>>[vector<16xi32>], vector<16xf32>, vector<16xi1>
        %mul3A_422 = arith.constant 2 : i32
        %mul3A_423 = arith.muli %mul3A_422, %scan3A_278 : i32
        %add3A_424 = arith.constant 1 : i32
        %add3A_425 = arith.addi %mul3A_423, %add3A_424 : i32
        %add3A_426 = arith.addi %mul3A_58, %add3A_425 : i32
        %mul3A_427 = arith.constant 128 : i32
        %mul3A_428 = arith.muli %add3A_426, %mul3A_427 : i32
        %add3A_429 = arith.constant 0 : i32
        %add3A_430 = arith.addi %mul3A_428, %add3A_429 : i32
        %get3A_431 = arith.index_cast %add3A_430 : i32 to index
        %get3A_432 = tpu.vector_load %arg6[%get3A_431] {strides = array<i32>} : memref<65536xf32, #tpu.memory_space<vmem>>, vector<16xf32>,
        %add3A_433 = arith.constant 16 : i32
        %add3A_434 = arith.addi %mul3A_428, %add3A_433 : i32
        %get3A_435 = arith.index_cast %add3A_434 : i32 to index
        %get3A_436 = tpu.vector_load %arg6[%get3A_435] {strides = array<i32>} : memref<65536xf32, #tpu.memory_space<vmem>>, vector<16xf32>,
        %add3A_437 = arith.constant 32 : i32
        %add3A_438 = arith.addi %mul3A_428, %add3A_437 : i32
        %get3A_439 = arith.index_cast %add3A_438 : i32 to index
        %get3A_440 = tpu.vector_load %arg6[%get3A_439] {strides = array<i32>} : memref<65536xf32, #tpu.memory_space<vmem>>, vector<16xf32>,
        %add3A_441 = arith.constant 48 : i32
        %add3A_442 = arith.addi %mul3A_428, %add3A_441 : i32
        %get3A_443 = arith.index_cast %add3A_442 : i32 to index
        %get3A_444 = tpu.vector_load %arg6[%get3A_443] {strides = array<i32>} : memref<65536xf32, #tpu.memory_space<vmem>>, vector<16xf32>,
        %add3A_445 = arith.constant 64 : i32
        %add3A_446 = arith.addi %mul3A_428, %add3A_445 : i32
        %get3A_447 = arith.index_cast %add3A_446 : i32 to index
        %get3A_448 = tpu.vector_load %arg6[%get3A_447] {strides = array<i32>} : memref<65536xf32, #tpu.memory_space<vmem>>, vector<16xf32>,
        %add3A_449 = arith.constant 80 : i32
        %add3A_450 = arith.addi %mul3A_428, %add3A_449 : i32
        %get3A_451 = arith.index_cast %add3A_450 : i32 to index
        %get3A_452 = tpu.vector_load %arg6[%get3A_451] {strides = array<i32>} : memref<65536xf32, #tpu.memory_space<vmem>>, vector<16xf32>,
        %add3A_453 = arith.constant 96 : i32
        %add3A_454 = arith.addi %mul3A_428, %add3A_453 : i32
        %get3A_455 = arith.index_cast %add3A_454 : i32 to index
        %get3A_456 = tpu.vector_load %arg6[%get3A_455] {strides = array<i32>} : memref<65536xf32, #tpu.memory_space<vmem>>, vector<16xf32>,
        %add3A_457 = arith.constant 112 : i32
        %add3A_458 = arith.addi %mul3A_428, %add3A_457 : i32
        %get3A_459 = arith.index_cast %add3A_458 : i32 to index
        %get3A_460 = tpu.vector_load %arg6[%get3A_459] {strides = array<i32>} : memref<65536xf32, #tpu.memory_space<vmem>>, vector<16xf32>,
        %exp3A_461 = math.exp %get3A_432 : vector<16xf32>
        %exp3A_462 = math.exp %get3A_436 : vector<16xf32>
        %exp3A_463 = math.exp %get3A_440 : vector<16xf32>
        %exp3A_464 = math.exp %get3A_444 : vector<16xf32>
        %exp3A_465 = math.exp %get3A_448 : vector<16xf32>
        %exp3A_466 = math.exp %get3A_452 : vector<16xf32>
        %exp3A_467 = math.exp %get3A_456 : vector<16xf32>
        %exp3A_468 = math.exp %get3A_460 : vector<16xf32>
        %add3A_469 = arith.addf %exp3A_461, %exp3A_462 : vector<16xf32>
        %add3A_470 = arith.addf %exp3A_463, %exp3A_464 : vector<16xf32>
        %add3A_471 = arith.addf %add3A_469, %add3A_470 : vector<16xf32>
        %add3A_472 = arith.addf %exp3A_465, %exp3A_466 : vector<16xf32>
        %add3A_473 = arith.addf %exp3A_467, %exp3A_468 : vector<16xf32>
        %add3A_474 = arith.addf %add3A_472, %add3A_473 : vector<16xf32>
        %add3A_475 = arith.addf %add3A_471, %add3A_474 : vector<16xf32>
        %broadcast_in_dim3A_476 = arith.constant true
        %broadcast_in_dim3A_477 = vector.broadcast %broadcast_in_dim3A_476 : i1 to vector<16xi1>
        %masked_cumsum3A_478 = tpu.scan <sum>, %add3A_475 masked %broadcast_in_dim3A_477 : vector<16xf32>, vector<16xi1> -> vector<16xf32>
        %mul3A_479 = arith.constant 16 : i32
        %mul3A_480 = arith.muli %add3A_425, %mul3A_479 : i32
        %swap3A_481 = arith.index_cast %mul3A_480 : i32 to index
        %swap3A_482 = tpu.vector_load %arg10[%swap3A_481] {strides = array<i32>} : memref<256xf32, #tpu.memory_space<vmem>>, vector<16xf32>,
        tpu.vector_store %arg10[%swap3A_481], %masked_cumsum3A_478 {strides = array<i32>} : memref<256xf32, #tpu.memory_space<vmem>>, vector<16xf32>,
        %masked_sort3A_483 = arith.constant dense<true> : vector<16xi1>
        %masked_sort3A_484, %masked_sort3A_485, %masked_sort3A_486 = tpu.sort %get3A_432, %add3A_18 masked %masked_sort3A_483 {descending = true} : (vector<16xf32>, vector<16xi32>, vector<16xi1>) -> (vector<16xi1>, vector<16xf32>, vector<16xi32>)
        %masked_sort3A_487 = arith.constant dense<true> : vector<16xi1>
        %masked_sort3A_488, %masked_sort3A_489, %masked_sort3A_490 = tpu.sort %get3A_436, %add3A_21 masked %masked_sort3A_487 : (vector<16xf32>, vector<16xi32>, vector<16xi1>) -> (vector<16xi1>, vector<16xf32>, vector<16xi32>)
        %masked_sort3A_491 = arith.constant dense<true> : vector<16xi1>
        %masked_sort3A_492, %masked_sort3A_493, %masked_sort3A_494 = tpu.sort %get3A_440, %add3A_24 masked %masked_sort3A_491 {descending = true} : (vector<16xf32>, vector<16xi32>, vector<16xi1>) -> (vector<16xi1>, vector<16xf32>, vector<16xi32>)
        %masked_sort3A_495 = arith.constant dense<true> : vector<16xi1>
        %masked_sort3A_496, %masked_sort3A_497, %masked_sort3A_498 = tpu.sort %get3A_444, %add3A_27 masked %masked_sort3A_495 : (vector<16xf32>, vector<16xi32>, vector<16xi1>) -> (vector<16xi1>, vector<16xf32>, vector<16xi32>)
        %masked_sort3A_499 = arith.constant dense<true> : vector<16xi1>
        %masked_sort3A_500, %masked_sort3A_501, %masked_sort3A_502 = tpu.sort %get3A_448, %add3A_30 masked %masked_sort3A_499 {descending = true} : (vector<16xf32>, vector<16xi32>, vector<16xi1>) -> (vector<16xi1>, vector<16xf32>, vector<16xi32>)
        %masked_sort3A_503 = arith.constant dense<true> : vector<16xi1>
        %masked_sort3A_504, %masked_sort3A_505, %masked_sort3A_506 = tpu.sort %get3A_452, %add3A_33 masked %masked_sort3A_503 : (vector<16xf32>, vector<16xi32>, vector<16xi1>) -> (vector<16xi1>, vector<16xf32>, vector<16xi32>)
        %masked_sort3A_507 = arith.constant dense<true> : vector<16xi1>
        %masked_sort3A_508, %masked_sort3A_509, %masked_sort3A_510 = tpu.sort %get3A_456, %add3A_36 masked %masked_sort3A_507 {descending = true} : (vector<16xf32>, vector<16xi32>, vector<16xi1>) -> (vector<16xi1>, vector<16xf32>, vector<16xi32>)
        %masked_sort3A_511 = arith.constant dense<true> : vector<16xi1>
        %masked_sort3A_512, %masked_sort3A_513, %masked_sort3A_514 = tpu.sort %get3A_460, %add3A_39 masked %masked_sort3A_511 : (vector<16xf32>, vector<16xi32>, vector<16xi1>) -> (vector<16xi1>, vector<16xf32>, vector<16xi32>)
        %ge3A_515 = arith.cmpf oge, %masked_sort3A_485, %masked_sort3A_489 : vector<16xf32>
        %max3A_516 = arith.maximumf %masked_sort3A_485, %masked_sort3A_489 : vector<16xf32>
        %select_n3A_517 = arith.select %ge3A_515, %masked_sort3A_486, %masked_sort3A_490 : vector<16xi1>, vector<16xi32>
        %ge3A_518 = arith.cmpf oge, %masked_sort3A_493, %masked_sort3A_497 : vector<16xf32>
        %max3A_519 = arith.maximumf %masked_sort3A_493, %masked_sort3A_497 : vector<16xf32>
        %select_n3A_520 = arith.select %ge3A_518, %masked_sort3A_494, %masked_sort3A_498 : vector<16xi1>, vector<16xi32>
        %ge3A_521 = arith.cmpf oge, %masked_sort3A_501, %masked_sort3A_505 : vector<16xf32>
        %max3A_522 = arith.maximumf %masked_sort3A_501, %masked_sort3A_505 : vector<16xf32>
        %select_n3A_523 = arith.select %ge3A_521, %masked_sort3A_502, %masked_sort3A_506 : vector<16xi1>, vector<16xi32>
        %ge3A_524 = arith.cmpf oge, %masked_sort3A_509, %masked_sort3A_513 : vector<16xf32>
        %max3A_525 = arith.maximumf %masked_sort3A_509, %masked_sort3A_513 : vector<16xf32>
        %select_n3A_526 = arith.select %ge3A_524, %masked_sort3A_510, %masked_sort3A_514 : vector<16xi1>, vector<16xi32>
        %masked_sort3A_527 = arith.constant dense<true> : vector<16xi1>
        %masked_sort3A_528, %masked_sort3A_529, %masked_sort3A_530 = tpu.sort %max3A_516, %select_n3A_517 masked %masked_sort3A_527 {descending = true} : (vector<16xf32>, vector<16xi32>, vector<16xi1>) -> (vector<16xi1>, vector<16xf32>, vector<16xi32>)
        %masked_sort3A_531 = arith.constant dense<true> : vector<16xi1>
        %masked_sort3A_532, %masked_sort3A_533, %masked_sort3A_534 = tpu.sort %max3A_519, %select_n3A_520 masked %masked_sort3A_531 : (vector<16xf32>, vector<16xi32>, vector<16xi1>) -> (vector<16xi1>, vector<16xf32>, vector<16xi32>)
        %masked_sort3A_535 = arith.constant dense<true> : vector<16xi1>
        %masked_sort3A_536, %masked_sort3A_537, %masked_sort3A_538 = tpu.sort %max3A_522, %select_n3A_523 masked %masked_sort3A_535 {descending = true} : (vector<16xf32>, vector<16xi32>, vector<16xi1>) -> (vector<16xi1>, vector<16xf32>, vector<16xi32>)
        %masked_sort3A_539 = arith.constant dense<true> : vector<16xi1>
        %masked_sort3A_540, %masked_sort3A_541, %masked_sort3A_542 = tpu.sort %max3A_525, %select_n3A_526 masked %masked_sort3A_539 : (vector<16xf32>, vector<16xi32>, vector<16xi1>) -> (vector<16xi1>, vector<16xf32>, vector<16xi32>)
        %ge3A_543 = arith.cmpf oge, %masked_sort3A_529, %masked_sort3A_533 : vector<16xf32>
        %max3A_544 = arith.maximumf %masked_sort3A_529, %masked_sort3A_533 : vector<16xf32>
        %select_n3A_545 = arith.select %ge3A_543, %masked_sort3A_530, %masked_sort3A_534 : vector<16xi1>, vector<16xi32>
        %ge3A_546 = arith.cmpf oge, %masked_sort3A_537, %masked_sort3A_541 : vector<16xf32>
        %max3A_547 = arith.maximumf %masked_sort3A_537, %masked_sort3A_541 : vector<16xf32>
        %select_n3A_548 = arith.select %ge3A_546, %masked_sort3A_538, %masked_sort3A_542 : vector<16xi1>, vector<16xi32>
        %masked_sort3A_549 = arith.constant dense<true> : vector<16xi1>
        %masked_sort3A_550, %masked_sort3A_551, %masked_sort3A_552 = tpu.sort %max3A_544, %select_n3A_545 masked %masked_sort3A_549 {descending = true} : (vector<16xf32>, vector<16xi32>, vector<16xi1>) -> (vector<16xi1>, vector<16xf32>, vector<16xi32>)
        %masked_sort3A_553 = arith.constant dense<true> : vector<16xi1>
        %masked_sort3A_554, %masked_sort3A_555, %masked_sort3A_556 = tpu.sort %max3A_547, %select_n3A_548 masked %masked_sort3A_553 : (vector<16xf32>, vector<16xi32>, vector<16xi1>) -> (vector<16xi1>, vector<16xf32>, vector<16xi32>)
        %ge3A_557 = arith.cmpf oge, %masked_sort3A_551, %masked_sort3A_555 : vector<16xf32>
        %max3A_558 = arith.maximumf %masked_sort3A_551, %masked_sort3A_555 : vector<16xf32>
        %select_n3A_559 = arith.select %ge3A_557, %masked_sort3A_552, %masked_sort3A_556 : vector<16xi1>, vector<16xi32>
        %masked_sort3A_560 = arith.constant dense<true> : vector<16xi1>
        %masked_sort3A_561, %masked_sort3A_562, %masked_sort3A_563 = tpu.sort %max3A_558, %select_n3A_559 masked %masked_sort3A_560 {descending = true} : (vector<16xf32>, vector<16xi32>, vector<16xi1>) -> (vector<16xi1>, vector<16xf32>, vector<16xi32>)
        %and3A_564 = arith.constant -16 : i32
        %and3A_565 = vector.broadcast %and3A_564 : i32 to vector<16xi32>
        %and3A_566 = arith.andi %masked_sort3A_563, %and3A_565 : vector<16xi32>
        %add3A_567 = vector.broadcast %add3A_425 : i32 to vector<16xi32>
        %add3A_568 = arith.addi %and3A_566, %add3A_567 : vector<16xi32>
        tpu.vector_store_idx %arg9[%add3A_568], %masked_sort3A_562 masked %lt3A_15 {add = true} : memref<128xf32, #tpu.memory_space<vmem>>[vector<16xi32>], vector<16xf32>, vector<16xi1>
        %scan3A_569 = arith.constant 0 : i32
        scf.yield %scan3A_569 : i32
      }
      %scan3A_81 = arith.constant 8 : i32
      %add3A_82 = arith.constant 15 : i32
      %add3A_83 = vector.broadcast %add3A_82 : i32 to vector<16xi32>
      %add3A_84 = arith.addi %mul3A_10, %add3A_83 : vector<16xi32>
      %gather3A = tpu.vector_load_idx %arg10[%add3A_84] : memref<256xf32, #tpu.memory_space<vmem>>[vector<16xi32>], vector<16xf32>,
      %bitcast3A = vector.bitcast %gather3A : vector<16xf32> to vector<16xi32>
      %shift_right_arithmetic3A = arith.constant 23 : i32
      %shift_right_arithmetic3A_85 = vector.broadcast %shift_right_arithmetic3A : i32 to vector<16xi32>
      %shift_right_arithmetic3A_86 = arith.shrsi %bitcast3A, %shift_right_arithmetic3A_85 : vector<16xi32>
      %sub3A = arith.constant 127 : i32
      %sub3A_87 = vector.broadcast %sub3A : i32 to vector<16xi32>
      %sub3A_88 = arith.subi %shift_right_arithmetic3A_86, %sub3A_87 : vector<16xi32>
      %and3A = arith.constant 8388607 : i32
      %and3A_89 = vector.broadcast %and3A : i32 to vector<16xi32>
      %and3A_90 = arith.andi %bitcast3A, %and3A_89 : vector<16xi32>
      %or3A = arith.constant 1065353216 : i32
      %or3A_91 = vector.broadcast %or3A : i32 to vector<16xi32>
      %or3A_92 = arith.ori %and3A_90, %or3A_91 : vector<16xi32>
      %bitcast3A_93 = vector.bitcast %or3A_92 : vector<16xi32> to vector<16xf32>
      %gt3A = arith.constant 1.41421354 : f32
      %gt3A_94 = vector.broadcast %gt3A : f32 to vector<16xf32>
      %gt3A_95 = arith.cmpf ogt, %bitcast3A_93, %gt3A_94 : vector<16xf32>
      %mul3A_96 = arith.constant 5.000000e-01 : f32
      %mul3A_97 = vector.broadcast %mul3A_96 : f32 to vector<16xf32>
      %mul3A_98 = arith.mulf %bitcast3A_93, %mul3A_97 : vector<16xf32>
      %select_n3A = arith.select %gt3A_95, %mul3A_98, %bitcast3A_93 : vector<16xi1>, vector<16xf32>
      %jit3A = arith.constant 1 : i32
      %jit3A_99 = arith.constant 0 : i32
      %broadcast_in_dim3A_100 = vector.broadcast %jit3A : i32 to vector<16xi32>
      %broadcast_in_dim3A_101 = vector.broadcast %jit3A_99 : i32 to vector<16xi32>
      %select_n3A_102 = arith.select %gt3A_95, %broadcast_in_dim3A_100, %broadcast_in_dim3A_101 : vector<16xi1>, vector<16xi32>
      %add3A_103 = arith.addi %sub3A_88, %select_n3A_102 : vector<16xi32>
      %sub3A_104 = arith.constant 1.000000e+00 : f32
      %sub3A_105 = vector.broadcast %sub3A_104 : f32 to vector<16xf32>
      %sub3A_106 = arith.subf %select_n3A, %sub3A_105 : vector<16xf32>
      %add3A_107 = arith.constant 1.000000e+00 : f32
      %add3A_108 = vector.broadcast %add3A_107 : f32 to vector<16xf32>
      %add3A_109 = arith.addf %select_n3A, %add3A_108 : vector<16xf32>
      %div3A = arith.divf %sub3A_106, %add3A_109 : vector<16xf32>
      %mul3A_110 = arith.mulf %div3A, %div3A : vector<16xf32>
      %broadcast_in_dim3A_111 = arith.constant 0.111111112 : f32
      %broadcast_in_dim3A_112 = vector.broadcast %broadcast_in_dim3A_111 : f32 to vector<16xf32>
      %mul3A_113 = arith.mulf %broadcast_in_dim3A_112, %mul3A_110 : vector<16xf32>
      %add3A_114 = arith.constant 0.142857149 : f32
      %add3A_115 = vector.broadcast %add3A_114 : f32 to vector<16xf32>
      %add3A_116 = arith.addf %mul3A_113, %add3A_115 : vector<16xf32>
      %mul3A_117 = arith.mulf %add3A_116, %mul3A_110 : vector<16xf32>
      %add3A_118 = arith.constant 2.000000e-01 : f32
      %add3A_119 = vector.broadcast %add3A_118 : f32 to vector<16xf32>
      %add3A_120 = arith.addf %mul3A_117, %add3A_119 : vector<16xf32>
      %mul3A_121 = arith.mulf %add3A_120, %mul3A_110 : vector<16xf32>
      %add3A_122 = arith.constant 0.333333343 : f32
      %add3A_123 = vector.broadcast %add3A_122 : f32 to vector<16xf32>
      %add3A_124 = arith.addf %mul3A_121, %add3A_123 : vector<16xf32>
      %mul3A_125 = arith.mulf %add3A_124, %mul3A_110 : vector<16xf32>
      %add3A_126 = arith.constant 1.000000e+00 : f32
      %add3A_127 = vector.broadcast %add3A_126 : f32 to vector<16xf32>
      %add3A_128 = arith.addf %mul3A_125, %add3A_127 : vector<16xf32>
      %convert_element_type3A = arith.sitofp %add3A_103 : vector<16xi32> to vector<16xf32>
      %mul3A_129 = arith.constant 0.693147182 : f32
      %mul3A_130 = vector.broadcast %mul3A_129 : f32 to vector<16xf32>
      %mul3A_131 = arith.mulf %convert_element_type3A, %mul3A_130 : vector<16xf32>
      %mul3A_132 = arith.constant 2.000000e+00 : f32
      %mul3A_133 = vector.broadcast %mul3A_132 : f32 to vector<16xf32>
      %mul3A_134 = arith.mulf %mul3A_133, %div3A : vector<16xf32>
      %mul3A_135 = arith.mulf %mul3A_134, %add3A_128 : vector<16xf32>
      %add3A_136 = arith.addf %mul3A_131, %mul3A_135 : vector<16xf32>
      %get3A = arith.index_cast %mul3A_58 : i32 to index
      %get3A_137 = tpu.vector_load %arg7[%get3A] {strides = array<i32>} : memref<512xi32, #tpu.memory_space<vmem>>, vector<16xi32>,
      %mul3A_138 = arith.constant 128 : i32
      %mul3A_139 = arith.muli %mul3A_58, %mul3A_138 : i32
      %add3A_140 = vector.broadcast %mul3A_139 : i32 to vector<16xi32>
      %add3A_141 = arith.addi %add3A_140, %get3A_137 : vector<16xi32>
      %add3A_142 = arith.addi %mul3A_13, %add3A_141 : vector<16xi32>
      %gather3A_143 = tpu.vector_load_idx %arg6[%add3A_142] : memref<65536xf32, #tpu.memory_space<vmem>>[vector<16xi32>], vector<16xf32>,
      %sub3A_144 = arith.subf %add3A_136, %gather3A_143 : vector<16xf32>
      %add3A_145 = arith.addf %scan3A_55, %sub3A_144 : vector<16xf32>
      %add3A_146 = arith.constant 0 : i32
      %add3A_147 = vector.broadcast %add3A_146 : i32 to vector<16xi32>
      %add3A_148 = arith.addi %iota3A, %add3A_147 : vector<16xi32>
      %gather3A_149 = tpu.vector_load_idx %arg9[%add3A_148] : memref<128xf32, #tpu.memory_space<vmem>>[vector<16xi32>], vector<16xf32>,
      %add3A_150 = arith.constant 16 : i32
      %add3A_151 = vector.broadcast %add3A_150 : i32 to vector<16xi32>
      %add3A_152 = arith.addi %iota3A, %add3A_151 : vector<16xi32>
      %gather3A_153 = tpu.vector_load_idx %arg9[%add3A_152] : memref<128xf32, #tpu.memory_space<vmem>>[vector<16xi32>], vector<16xf32>,
      %add3A_154 = arith.constant 32 : i32
      %add3A_155 = vector.broadcast %add3A_154 : i32 to vector<16xi32>
      %add3A_156 = arith.addi %iota3A, %add3A_155 : vector<16xi32>
      %gather3A_157 = tpu.vector_load_idx %arg9[%add3A_156] : memref<128xf32, #tpu.memory_space<vmem>>[vector<16xi32>], vector<16xf32>,
      %add3A_158 = arith.constant 48 : i32
      %add3A_159 = vector.broadcast %add3A_158 : i32 to vector<16xi32>
      %add3A_160 = arith.addi %iota3A, %add3A_159 : vector<16xi32>
      %gather3A_161 = tpu.vector_load_idx %arg9[%add3A_160] : memref<128xf32, #tpu.memory_space<vmem>>[vector<16xi32>], vector<16xf32>,
      %add3A_162 = arith.constant 64 : i32
      %add3A_163 = vector.broadcast %add3A_162 : i32 to vector<16xi32>
      %add3A_164 = arith.addi %iota3A, %add3A_163 : vector<16xi32>
      %gather3A_165 = tpu.vector_load_idx %arg9[%add3A_164] : memref<128xf32, #tpu.memory_space<vmem>>[vector<16xi32>], vector<16xf32>,
      %add3A_166 = arith.constant 80 : i32
      %add3A_167 = vector.broadcast %add3A_166 : i32 to vector<16xi32>
      %add3A_168 = arith.addi %iota3A, %add3A_167 : vector<16xi32>
      %gather3A_169 = tpu.vector_load_idx %arg9[%add3A_168] : memref<128xf32, #tpu.memory_space<vmem>>[vector<16xi32>], vector<16xf32>,
      %add3A_170 = arith.constant 96 : i32
      %add3A_171 = vector.broadcast %add3A_170 : i32 to vector<16xi32>
      %add3A_172 = arith.addi %iota3A, %add3A_171 : vector<16xi32>
      %gather3A_173 = tpu.vector_load_idx %arg9[%add3A_172] : memref<128xf32, #tpu.memory_space<vmem>>[vector<16xi32>], vector<16xf32>,
      %add3A_174 = arith.constant 112 : i32
      %add3A_175 = vector.broadcast %add3A_174 : i32 to vector<16xi32>
      %add3A_176 = arith.addi %iota3A, %add3A_175 : vector<16xi32>
      %gather3A_177 = tpu.vector_load_idx %arg9[%add3A_176] : memref<128xf32, #tpu.memory_space<vmem>>[vector<16xi32>], vector<16xf32>,
      %max3A = arith.maximumf %gather3A_149, %gather3A_153 : vector<16xf32>
      %max3A_178 = arith.maximumf %gather3A_157, %gather3A_161 : vector<16xf32>
      %max3A_179 = arith.maximumf %max3A, %max3A_178 : vector<16xf32>
      %max3A_180 = arith.maximumf %gather3A_165, %gather3A_169 : vector<16xf32>
      %max3A_181 = arith.maximumf %gather3A_173, %gather3A_177 : vector<16xf32>
      %max3A_182 = arith.maximumf %max3A_180, %max3A_181 : vector<16xf32>
      %max3A_183 = arith.maximumf %max3A_179, %max3A_182 : vector<16xf32>
      %sub3A_184 = arith.subf %gather3A_149, %max3A_183 : vector<16xf32>
      %exp3A = math.exp %sub3A_184 : vector<16xf32>
      %sub3A_185 = arith.subf %gather3A_153, %max3A_183 : vector<16xf32>
      %exp3A_186 = math.exp %sub3A_185 : vector<16xf32>
      %sub3A_187 = arith.subf %gather3A_157, %max3A_183 : vector<16xf32>
      %exp3A_188 = math.exp %sub3A_187 : vector<16xf32>
      %sub3A_189 = arith.subf %gather3A_161, %max3A_183 : vector<16xf32>
      %exp3A_190 = math.exp %sub3A_189 : vector<16xf32>
      %sub3A_191 = arith.subf %gather3A_165, %max3A_183 : vector<16xf32>
      %exp3A_192 = math.exp %sub3A_191 : vector<16xf32>
      %sub3A_193 = arith.subf %gather3A_169, %max3A_183 : vector<16xf32>
      %exp3A_194 = math.exp %sub3A_193 : vector<16xf32>
      %sub3A_195 = arith.subf %gather3A_173, %max3A_183 : vector<16xf32>
      %exp3A_196 = math.exp %sub3A_195 : vector<16xf32>
      %sub3A_197 = arith.subf %gather3A_177, %max3A_183 : vector<16xf32>
      %exp3A_198 = math.exp %sub3A_197 : vector<16xf32>
      %add3A_199 = arith.addf %exp3A, %exp3A_186 : vector<16xf32>
      %add3A_200 = arith.addf %exp3A_188, %exp3A_190 : vector<16xf32>
      %add3A_201 = arith.addf %add3A_199, %add3A_200 : vector<16xf32>
      %add3A_202 = arith.addf %exp3A_192, %exp3A_194 : vector<16xf32>
      %add3A_203 = arith.addf %exp3A_196, %exp3A_198 : vector<16xf32>
      %add3A_204 = arith.addf %add3A_202, %add3A_203 : vector<16xf32>
      %add3A_205 = arith.addf %add3A_201, %add3A_204 : vector<16xf32>
      %bitcast3A_206 = vector.bitcast %add3A_205 : vector<16xf32> to vector<16xi32>
      %shift_right_arithmetic3A_207 = arith.constant 23 : i32
      %shift_right_arithmetic3A_208 = vector.broadcast %shift_right_arithmetic3A_207 : i32 to vector<16xi32>
      %shift_right_arithmetic3A_209 = arith.shrsi %bitcast3A_206, %shift_right_arithmetic3A_208 : vector<16xi32>
      %sub3A_210 = arith.constant 127 : i32
      %sub3A_211 = vector.broadcast %sub3A_210 : i32 to vector<16xi32>
      %sub3A_212 = arith.subi %shift_right_arithmetic3A_209, %sub3A_211 : vector<16xi32>
      %and3A_213 = arith.constant 8388607 : i32
      %and3A_214 = vector.broadcast %and3A_213 : i32 to vector<16xi32>
      %and3A_215 = arith.andi %bitcast3A_206, %and3A_214 : vector<16xi32>
      %or3A_216 = arith.constant 1065353216 : i32
      %or3A_217 = vector.broadcast %or3A_216 : i32 to vector<16xi32>
      %or3A_218 = arith.ori %and3A_215, %or3A_217 : vector<16xi32>
      %bitcast3A_219 = vector.bitcast %or3A_218 : vector<16xi32> to vector<16xf32>
      %gt3A_220 = arith.constant 1.41421354 : f32
      %gt3A_221 = vector.broadcast %gt3A_220 : f32 to vector<16xf32>
      %gt3A_222 = arith.cmpf ogt, %bitcast3A_219, %gt3A_221 : vector<16xf32>
      %mul3A_223 = arith.constant 5.000000e-01 : f32
      %mul3A_224 = vector.broadcast %mul3A_223 : f32 to vector<16xf32>
      %mul3A_225 = arith.mulf %bitcast3A_219, %mul3A_224 : vector<16xf32>
      %select_n3A_226 = arith.select %gt3A_222, %mul3A_225, %bitcast3A_219 : vector<16xi1>, vector<16xf32>
      %jit3A_227 = arith.constant 1 : i32
      %jit3A_228 = arith.constant 0 : i32
      %broadcast_in_dim3A_229 = vector.broadcast %jit3A_227 : i32 to vector<16xi32>
      %broadcast_in_dim3A_230 = vector.broadcast %jit3A_228 : i32 to vector<16xi32>
      %select_n3A_231 = arith.select %gt3A_222, %broadcast_in_dim3A_229, %broadcast_in_dim3A_230 : vector<16xi1>, vector<16xi32>
      %add3A_232 = arith.addi %sub3A_212, %select_n3A_231 : vector<16xi32>
      %sub3A_233 = arith.constant 1.000000e+00 : f32
      %sub3A_234 = vector.broadcast %sub3A_233 : f32 to vector<16xf32>
      %sub3A_235 = arith.subf %select_n3A_226, %sub3A_234 : vector<16xf32>
      %add3A_236 = arith.constant 1.000000e+00 : f32
      %add3A_237 = vector.broadcast %add3A_236 : f32 to vector<16xf32>
      %add3A_238 = arith.addf %select_n3A_226, %add3A_237 : vector<16xf32>
      %div3A_239 = arith.divf %sub3A_235, %add3A_238 : vector<16xf32>
      %mul3A_240 = arith.mulf %div3A_239, %div3A_239 : vector<16xf32>
      %broadcast_in_dim3A_241 = arith.constant 0.111111112 : f32
      %broadcast_in_dim3A_242 = vector.broadcast %broadcast_in_dim3A_241 : f32 to vector<16xf32>
      %mul3A_243 = arith.mulf %broadcast_in_dim3A_242, %mul3A_240 : vector<16xf32>
      %add3A_244 = arith.constant 0.142857149 : f32
      %add3A_245 = vector.broadcast %add3A_244 : f32 to vector<16xf32>
      %add3A_246 = arith.addf %mul3A_243, %add3A_245 : vector<16xf32>
      %mul3A_247 = arith.mulf %add3A_246, %mul3A_240 : vector<16xf32>
      %add3A_248 = arith.constant 2.000000e-01 : f32
      %add3A_249 = vector.broadcast %add3A_248 : f32 to vector<16xf32>
      %add3A_250 = arith.addf %mul3A_247, %add3A_249 : vector<16xf32>
      %mul3A_251 = arith.mulf %add3A_250, %mul3A_240 : vector<16xf32>
      %add3A_252 = arith.constant 0.333333343 : f32
      %add3A_253 = vector.broadcast %add3A_252 : f32 to vector<16xf32>
      %add3A_254 = arith.addf %mul3A_251, %add3A_253 : vector<16xf32>
      %mul3A_255 = arith.mulf %add3A_254, %mul3A_240 : vector<16xf32>
      %add3A_256 = arith.constant 1.000000e+00 : f32
      %add3A_257 = vector.broadcast %add3A_256 : f32 to vector<16xf32>
      %add3A_258 = arith.addf %mul3A_255, %add3A_257 : vector<16xf32>
      %convert_element_type3A_259 = arith.sitofp %add3A_232 : vector<16xi32> to vector<16xf32>
      %mul3A_260 = arith.constant 0.693147182 : f32
      %mul3A_261 = vector.broadcast %mul3A_260 : f32 to vector<16xf32>
      %mul3A_262 = arith.mulf %convert_element_type3A_259, %mul3A_261 : vector<16xf32>
      %mul3A_263 = arith.constant 2.000000e+00 : f32
      %mul3A_264 = vector.broadcast %mul3A_263 : f32 to vector<16xf32>
      %mul3A_265 = arith.mulf %mul3A_264, %div3A_239 : vector<16xf32>
      %mul3A_266 = arith.mulf %mul3A_265, %add3A_258 : vector<16xf32>
      %add3A_267 = arith.addf %mul3A_262, %mul3A_266 : vector<16xf32>
      %add3A_268 = arith.addf %max3A_183, %add3A_267 : vector<16xf32>
      %get3A_269 = arith.index_cast %mul3A_58 : i32 to index
      %get3A_270 = tpu.vector_load %arg8[%get3A_269] {strides = array<i32>} : memref<512xi32, #tpu.memory_space<vmem>>, vector<16xi32>,
      %mul3A_271 = arith.constant 16 : i32
      %mul3A_272 = vector.broadcast %mul3A_271 : i32 to vector<16xi32>
      %mul3A_273 = arith.muli %get3A_270, %mul3A_272 : vector<16xi32>
      %add3A_274 = arith.addi %iota3A, %mul3A_273 : vector<16xi32>
      %gather3A_275 = tpu.vector_load_idx %arg9[%add3A_274] : memref<128xf32, #tpu.memory_space<vmem>>[vector<16xi32>], vector<16xf32>,
      %sub3A_276 = arith.subf %add3A_268, %gather3A_275 : vector<16xf32>
      %add3A_277 = arith.addf %scan3A_56, %sub3A_276 : vector<16xf32>
      scf.yield %add3A_145, %add3A_277 : vector<16xf32>, vector<16xf32>
    }
    %scan3A_45 = arith.constant 32 : i32
    %mul3A_46 = arith.constant 6.000000e-01 : f32
    %mul3A_47 = vector.broadcast %mul3A_46 : f32 to vector<16xf32>
    %mul3A_48 = arith.mulf %mul3A_47, %scan3A_44#0 : vector<16xf32>
    %mul3A_49 = arith.constant 4.000000e-01 : f32
    %mul3A_50 = vector.broadcast %mul3A_49 : f32 to vector<16xf32>
    %mul3A_51 = arith.mulf %mul3A_50, %scan3A_44#1 : vector<16xf32>
    %add3A_52 = arith.addf %mul3A_48, %mul3A_51 : vector<16xf32>
    %swap3A = arith.constant 0 : index
    %swap3A_53 = tpu.vector_load %arg11[%swap3A] {strides = array<i32>} : memref<16xf32, #tpu.memory_space<vmem>>, vector<16xf32>,
    tpu.vector_store %arg11[%swap3A], %add3A_52 {strides = array<i32>} : memref<16xf32, #tpu.memory_space<vmem>>, vector<16xf32>,
    "tpu.region"() ({
      %run_scoped3A = tpu.sem_alloc : memref<!tpu.dma_semaphore, #tpu.memory_space<semaphore_mem>>
      %dma_start3A = arith.constant 0 : i32
      %dma_start3A_54 = tpu.memref_slice %arg5[%add3A, %dma_start3A] : memref<32x16xf32, #tpu.memory_space<hbm>> -> memref<1x16xf32, #tpu.memory_space<hbm>>
      %dma_start3A_55 = tpu.memref_squeeze %dma_start3A_54 : memref<1x16xf32, #tpu.memory_space<hbm>> -> memref<16xf32, #tpu.memory_space<hbm>>
      %dma_start3A_56 = arith.constant 0 : i32
      %dma_start3A_57 = tpu.memref_slice %arg5[%add3A, %dma_start3A_56] : memref<32x16xf32, #tpu.memory_space<hbm>> -> memref<1x16xf32, #tpu.memory_space<hbm>>
      %dma_start3A_58 = tpu.memref_squeeze %dma_start3A_57 : memref<1x16xf32, #tpu.memory_space<hbm>> -> memref<16xf32, #tpu.memory_space<hbm>>
      tpu.enqueue_dma source(%arg11 : memref<16xf32, #tpu.memory_space<vmem>>) target(%dma_start3A_58 : memref<16xf32, #tpu.memory_space<hbm>>) target_semaphore(%run_scoped3A : memref<!tpu.dma_semaphore, #tpu.memory_space<semaphore_mem>>)
      %dma_wait3A = arith.constant 0 : i32
      %dma_wait3A_59 = tpu.memref_slice %arg5[%add3A, %dma_wait3A] : memref<32x16xf32, #tpu.memory_space<hbm>> -> memref<1x16xf32, #tpu.memory_space<hbm>>
      %dma_wait3A_60 = tpu.memref_squeeze %dma_wait3A_59 : memref<1x16xf32, #tpu.memory_space<hbm>> -> memref<16xf32, #tpu.memory_space<hbm>>
      %dma_wait3A_61 = arith.constant 0 : i32
      %dma_wait3A_62 = tpu.memref_slice %arg5[%add3A, %dma_wait3A_61] : memref<32x16xf32, #tpu.memory_space<hbm>> -> memref<1x16xf32, #tpu.memory_space<hbm>>
      %dma_wait3A_63 = tpu.memref_squeeze %dma_wait3A_62 : memref<1x16xf32, #tpu.memory_space<hbm>> -> memref<16xf32, #tpu.memory_space<hbm>>
      tpu.wait_dma2 semaphore(%run_scoped3A : memref<!tpu.dma_semaphore, #tpu.memory_space<semaphore_mem>>) src(%arg11 : memref<16xf32, #tpu.memory_space<vmem>>) dst(%dma_wait3A_63 : memref<16xf32, #tpu.memory_space<hbm>>)
      tpu.yield
    }) : () -> ()
    return
  }
}

</mosaic_0001>

<sc_bundles>
// kernel: kernel.3.cloned.1.call-start
scs
__scs_entry_jumppad:
0x0: {  	(pc) =	sbr.rel $0x88, $3  }
0x1: {  	(tag) =	ssettag $0x0;
	lr =	simm.s32 $0x1  }
0x2: {  	[smem:$0x3F9E] =	sst lr;
	_ =	strace $0xD0000000  }
0x3: {  	_ = 	snop  }
0x4: {  	_ = 	snop  }
0x5: {  	_ = 	snop  }
0x6: {  	_ = 	snop  }
0x7: {  	_ = 	snop  }
__scs_overlays_trampoline_lowered:
0x8: {  	[smem:$0x3FAD] =	sst s0  }
0x9: {  	[smem:$0x3FAE] =	sst s1  }
0xa: {  	[smem:$0x3FAF] =	sst s2  }
0xb: {  	[smem:$0x3FB0] =	sst s3  }
0xc: {  	[smem:$0x3FB1] =	sst s4  }
0xd: {  	[smem:$0x3FB2] =	sst s5  }
0xe: {  	[smem:$0x3FB3] =	sst s6  }
0xf: {  	[smem:$0x3FB4] =	sst s7  }
0x10: {  	[smem:$0x3FB5] =	sst s8  }
0x11: {  	[smem:$0x3FB6] =	sst s9;
	s0 =	simm.s32 @!p0 $0x0  }
0x12: {  	s1 =	sld [smem:$0x3F9C];
	s0 =	simm.s32 @p0 $0x1  }
0x13: {  	[smem:$0x3FB7] =	sst s0;
	s0 =	simm.s32 @!p1 $0x0  }
0x14: {  	s2 =	sld [smem:$0x3F9B];
	s0 =	simm.s32 @p1 $0x1  }
0x15: {  	[smem:$0x3FB8] =	sst s0;
	s0 =	simm.s32 @!p2 $0x0  }
0x16: {  	s3 =	sld [smem:$0x3FDB];
	s0 =	simm.s32 @p2 $0x1  }
0x17: {  	s4 =	simm.s32 $0x1BF5;
	[smem:$0x3FBA] =	sst s0  }
0x18: {  	s0 =	sld [smem:$0x3F9D];
	_ =	swait.ge [sflag:s4], $0x0  }
0x19: {  	s7 =	sld [smem:$0x3F9E]  }
0x1a: {  	s8 =	sadd.s32 $0xFFFFE003, lr  }
0x1b: {  	s9 =	sadd.s32 $0xFFFFFEF7, lr;
	s5 =	simm.s32 $0xFFFFFFFF;
	p2 =	slt.u32 s8, $0xFFFFF086  }
0x1c: {  	p1 =	slt.u32 s9, $0xF7A;
	s5 =	simm.s32 @!p2 $0x0  }
0x1d: {  	s5 =	simm.s32 @p1 $0x1;
	p0 =	seq.s32 s7, s2  }
0x1e: {  	s7 =	smul.u32 @!p0 $0xF7A, s2;
	p2 =	seq.s32 @!p0 s5, $0x0  }
0x1f: {  	s9 =	smul.u32 $0xF7A, s1;
	s8 =	simm.s32 @!p0 $0x1BF5;
	p2 =	por !p2, p0  }
0x20: {  	[sflag:s8] =	ssyncset.s32 @!p0 $0xFFFFF086;
	s6 =	sadd.s32 @!p0 s3, s7;
	s7 =	simm.s32 @!p0 $0x108  }
0x21: {  	s3 =	sadd.s32 s3, s9;
	s6 =	sadd.s32 @!p0 $0x88, s6;
	s7 =	simm.s32 @p2 $0x1082  }
0x22: {  	[simem:s7], [sflag:s8] =	dma.local @!p0 [hbm:s6], $0xF7A  }
0x23: {  	s9 =	sor.u32 $0xD0000000, s2;
	s6 =	simm.s32 $0x108;
	_ =	swait.ge @!p0 [sflag:s8], $0x0  }
0x24: {  	s3 =	sadd.s32 $0x88, s3;
	s6 =	simm.s32 @!p1 $0x1082;
	[sflag:s4] =	ssyncset.s32 $0xFFFFF086  }
0x25: {  	[simem:s6], [sflag:s4] =	dma.local [hbm:s3], $0xF7A  }
0x26: {  	[smem:$0x3F9E] =	sst s1;
	(tag) =	ssettag s2;
	_ =	strace s9  }
0x27: {  	s1 =	sld [smem:$0x3FAE]  }
0x28: {  	s2 =	sld [smem:$0x3FAF]  }
0x29: {  	s4 =	sld [smem:$0x3FB1]  }
0x2a: {  	p0 =	seq.s32 s5, $0x0;
	s5 =	sld [smem:$0x3FB2]  }
0x2b: {  	s6 =	sld [smem:$0x3FB3]  }
0x2c: {  	s7 =	sld [smem:$0x3FB4]  }
0x2d: {  	s3 =	simm.s32 $0x108;
	s8 =	sld [smem:$0x3FB5]  }
0x2e: {  	s3 =	simm.s32 @!p0 $0x1082;
	s9 =	sld [smem:$0x3FB6]  }
0x2f: {  	lr =	sadd.s32 s0, s3;
	s0 =	sld [smem:$0x3FAD]  }
0x30: {  	s3 =	sld [smem:$0x3FB0]  }
0x31: {  	[smem:$0x3FB9] =	sst s10  }
0x32: {  	s10 =	sld [smem:$0x3FB7];
	_ =	sdelay $0x3  }
0x33: {  	p0 =	seq.s32 s10, $0x1;
	s10 =	sld [smem:$0x3FB9];
	_ =	sdelay $0x3  }
0x34: {  	[smem:$0x3FB9] =	sst s10  }
0x35: {  	s10 =	sld [smem:$0x3FB8];
	_ =	sdelay $0x3  }
0x36: {  	p1 =	seq.s32 s10, $0x1;
	s10 =	sld [smem:$0x3FB9];
	_ =	sdelay $0x3  }
0x37: {  	[smem:$0x3FB9] =	sst s10  }
0x38: {  	s10 =	sld [smem:$0x3FBA]  }
0x39: {  	_ = 	snop;
	(pc) =	sbr.ind lr, $3  }
0x3a: {  	_ = 	snop  }
0x3b: {  	_ = 	snop  }
0x3c: {  	p2 =	seq.s32 s10, $0x1;
	s10 =	sld [smem:$0x3FB9]  }
0x3d: {  	_ =	shalt  }
0x3e: {  	_ =	shalt  }
0x3f: {  	_ =	shalt  }
0x40: {  	_ =	shalt  }
0x41: {  	_ =	shalt  }
0x42: {  	_ =	shalt  }
0x43: {  	_ =	shalt  }
0x44: {  	_ =	shalt  }
0x45: {  	_ =	shalt  }
0x46: {  	_ =	shalt  }
0x47: {  	_ =	shalt  }
0x48: {  	_ =	shalt  }
0x49: {  	_ =	shalt  }
0x4a: {  	_ =	shalt  }
0x4b: {  	_ =	shalt  }
0x4c: {  	_ =	shalt  }
0x4d: {  	_ =	shalt  }
0x4e: {  	_ =	shalt  }
0x4f: {  	_ =	shalt  }
0x50: {  	_ =	shalt  }
0x51: {  	_ =	shalt  }
0x52: {  	_ =	shalt  }
0x53: {  	_ =	shalt  }
0x54: {  	_ =	shalt  }
0x55: {  	_ =	shalt  }
0x56: {  	_ =	shalt  }
0x57: {  	_ =	shalt  }
0x58: {  	_ =	shalt  }
0x59: {  	_ =	shalt  }
0x5a: {  	_ =	shalt  }
0x5b: {  	_ =	shalt  }
0x5c: {  	_ =	shalt  }
0x5d: {  	_ =	shalt  }
0x5e: {  	_ =	shalt  }
0x5f: {  	_ =	shalt  }
0x60: {  	_ =	shalt  }
0x61: {  	_ =	shalt  }
0x62: {  	_ =	shalt  }
0x63: {  	_ =	shalt  }
0x64: {  	_ =	shalt  }
0x65: {  	_ =	shalt  }
0x66: {  	_ =	shalt  }
0x67: {  	_ =	shalt  }
0x68: {  	_ =	shalt  }
0x69: {  	_ =	shalt  }
0x6a: {  	_ =	shalt  }
0x6b: {  	_ =	shalt  }
0x6c: {  	_ =	shalt  }
0x6d: {  	_ =	shalt  }
0x6e: {  	_ =	shalt  }
0x6f: {  	_ =	shalt  }
0x70: {  	_ =	shalt  }
0x71: {  	_ =	shalt  }
0x72: {  	_ =	shalt  }
0x73: {  	_ =	shalt  }
0x74: {  	_ =	shalt  }
0x75: {  	_ =	shalt  }
0x76: {  	_ =	shalt  }
0x77: {  	_ =	shalt  }
0x78: {  	_ =	shalt  }
0x79: {  	_ =	shalt  }
0x7a: {  	_ =	shalt  }
0x7b: {  	_ =	shalt  }
0x7c: {  	_ =	shalt  }
0x7d: {  	_ =	shalt  }
0x7e: {  	_ =	shalt  }
0x7f: {  	_ =	shalt  }
0x80: {  	_ =	shalt  }
0x81: {  	_ =	shalt  }
0x82: {  	_ =	shalt  }
0x83: {  	_ =	shalt  }
0x84: {  	_ =	shalt  }
0x85: {  	_ =	shalt  }
0x86: {  	_ =	shalt  }
0x87: {  	_ =	shalt  }
.Lfunc_end0:
.L_simem_size_0:
called_computation_lowered:
.L_overlay_start_0:
0x88: {  	s2 =	sld [smem:$0x3FD9]  }
0x89: {  	s3 =	sld [smem:$0x3FFE];
	_ =	sdelay $0x1  }
0x8a: {  	s1 =	srdreg.scid  }
0x8b: {  	s0 =	sand.u32 $0x1, s1  }
0x8c: {  	s17 =	sshll.u32 s0, $0xA;
	s2 =	sadd.s32 s3, s2  }
0x8d: {  	s2 =	sadd.s32 s2, s17  }
0x8e: {  	[smem:$0x3FC5] =	sst s2  }
0x8f: {  	_ = 	snop  }
0x90: {  	s2 =	sld [smem:$0x3FC9]  }
0x91: {  	s18 =	sld [smem:$0x3FC8]  }
0x92: {  	s4 =	sld [smem:$0x3FC7];
	(tm) =	ssettm $0x1  }
0x93: {  	s5 =	sld [smem:$0x3FFB];
	_ =	sdelay $0x3  }
0x94: {  	_ =	strace s5  }
0x95: {  	s5 =	sld [smem:$0x3FFC];
	_ =	sdelay $0x3  }
0x96: {  	_ =	strace s5  }
0x97: {  	s5 =	sld [smem:$0x3FFD];
	_ =	sdelay $0x3  }
0x98: {  	_ =	strace s5  }
0x99: {  	_ =	strace $0x8FFFFFFF  }
0x9a: {  	s19 =	sld [smem:$0x3FDB];
	_ =	sdelay $0x1  }
0x9b: {  	s6 =	simm.s32 $_scs_section_size  }
0x9c: {  	s7 =	simm.s32 $_size__tile_overlayer_lowered;
	s8 =	simm.s32 $_tile_overlayer_lowered  }
0x9d: {  	s22 =	simm.s32 $0x1BFF;
	s21 =	sshll.u32 s8, $0x1;
	s5 =	sadd.s32 s6, s19  }
0x9e: {  	s9 =	simm.s32 $0x0;
	s20 =	sshll.u32 s7, $0x1;
	s7 =	sadd.s32 s21, s5  }
0x9f: {  	[timem:s9], [sflag:s22] =	dma.local [hbm:s7], s20  }
0xa0: {  	_ =	swait.ge [sflag:s22], s20  }
0xa1: {  	s6 =	ssub.s32 $0x0, s20;
	[sflag:s22] =	ssyncset.done $0x0  }
0xa2: {  	[sflag:s22] =	ssyncadd.s32 s6;
	_ =	sdelay $0x1  }
0xa3: {  	s23 =	simm.s32 $0x1B8B  }
0xa4: {  	_ =	swait.ge [sflag:s23], $0x1  }
0xa5: {  	[sflag:s23] =	ssyncset.done $0x0  }
0xa6: {  	s25 =	simm.s32 $0x1B8E;
	s24 =	sld [smem:$0x3FFE];
	[sflag:s23] =	ssyncadd.s32 $0xFFFFFFFF  }
0xa7: {  	s26 =	simm.s32 $execute0_lowered;
	[smem:$0x3FD2] =	sst s25  }
0xa8: {  	s7 =	sshll.u32 s26, $0x1;
	_ =	strace $0x80000046;
	[dreg:$0x1] =	wrdreg $0xFFFFFFFF  }
0xa9: {  	s28 =	simm.s32 $_size_execute0_lowered;
	s5 =	sadd.s32 s5, s7;
	[dreg:$0x0] =	wrdreg $0x0  }
0xaa: {  	s7 =	sshll.u32 s28, $0x1;
	[dreg:$0x2] =	wrdreg s5  }
0xab: {  	[dreg:$0x3] =	wrdreg s7  }
0xac: {  	[dreg:$0x4] =	wrdreg $0xC0  }
0xad: {  	_ =	task [dreg:s9], $0x5FFFF  }
0xae: {  	[dreg:$0x1] =	wrdreg $0xFFFFFFFF  }
0xaf: {  	[dreg:$0x0] =	wrdreg $0x60  }
0xb0: {  	[dreg:$0x2] =	wrdreg s2  }
0xb1: {  	[dreg:$0x3] =	wrdreg s18  }
0xb2: {  	[dreg:$0x4] =	wrdreg s4  }
0xb3: {  	[dreg:$0x5] =	wrdreg s24  }
0xb4: {  	[dreg:$0x6] =	wrdreg $0x9  }
0xb5: {  	_ =	task.clear_ibuf [dreg:s9], $0x7FFFF;
	_ =	strace $0x90000046  }
0xb6: {  	s29 =	simm.s32 $0x9;
	_ =	strace $0x80000048  }
0xb7: {  	_ =	swait.ge [sflag:s29], $0x1  }
0xb8: {  	[sflag:s29] =	ssyncadd.s32 $0xFFFFFFFF  }
0xb9: {  	_ =	strace $0x90000048  }
0xba: {  	_ =	sfence  }
0xbb: {  	s30 =	sld [smem:$0x0];
	_ =	sdelay $0x2  }
0xbc: {  	s31 =	sshll.u32 s1, $0xD;
	s1 =	sshrl.u32 s1, $0x2  }
0xbd: {  	s3 =	sand.u32 $0x4000, s31;
	s1 =	sadd.s32 s1, s30  }
0xbe: {  	s0 =	sor.u32 s3, s0;
	s1 =	sshll.u32 s1, $0x11  }
0xbf: {  	s0 =	sor.u32 s1, s0  }
0xc0: {  	s0 =	sadd.s32 $0x8F2B, s0  }
0xc1: {  	[sflag:s0] =	ssyncadd.remote.s32 $0x1  }
0xc2: {  	_ =	sfence.sel $0xFFFF  }
0xc3: {  	[dreg:$0x0] =	wrdreg $0xFFFFFFFF;
	(pc) =	sbr.abs _section_cstart, $3  }
0xc4: {  	[dreg:$0x1] =	wrdreg $0xFFFFFFFF  }
0xc5: {  	_ =	task.clear_ibuf [dreg:s9], $0x2FFFF;
	_ =	strace $0x9FFFFFFF  }
0xc6: {  	(tm) =	ssettm $0x7FFFFFFF  }
0xc7: {  	_ =	shalt  }
tec
execute0_lowered:
.L_overlay_start_1:
0x0: {  	(tag) =	ssettag $0x1  }
0x1: {  	s3 =	rddreg [dreg:$0x0]  }
0x2: {  	s4 =	rddreg [dreg:$0x1]  }
0x3: {  	s5 =	rddreg [dreg:$0x2]  }
0x4: {  	s6 =	rddreg [dreg:$0x3]  }
0x5: {  	s0 =	rddreg [dreg:$0x4]  }
0x6: {  	s7 =	srdreg.scid;
	s1 =	stileid.u32  }
0x7: {  	s2 =	simm.s32 $0x0;
	s11 =	simm.s32 $0x10400;
	s12 =	simm.s32 $0x10480  }
0x8: {  	s13 =	simm.s32 $0x10580;
	s14 =	simm.s32 $0x0;
	s7 =	sand.u32 $0x1, s7  }
0x9: {  	s8 =	sshll.u32 s1, $0x1;
	[smem:$0x7FF] =	sst s2;
	s9 =	ssub.s32 $0x2, s7  }
0xa: {  	v0 =	vlaneseq.u32;
	s7 =	sor.u32 s7, s8;
	_ =	strace $0x80000047;
	s30 =	sshrl.u32 s9, $0x1  }
0xb: {  	v1 =	vimm.f32 $0.0e+00;
	v10 =	vimm.s32 $0x0;
	v2 =	vor.u32 $0x10, v0;
	s10 =	sshll.u32 s7, $0xD;
	s31 =	sshll.u32 s7, $0x6;
	s7 =	sshll.u32 s7, $0x4  }
0xc: {  	v3 =	vor.u32 $0x20, v0;
	v4 =	vor.u32 $0x30, v0;
	v9 =	vmul.u32 $0x10, v0;
	s8 =	ssub.s32 s9, s30;
	s3 =	sadd.s32 s3, s10;
	s4 =	sadd.s32 s4, s31  }
0xd: {  	v5 =	vor.u32 $0x40, v0;
	v6 =	vor.u32 $0x50, v0;
	v7 =	vor.u32 $0x60, v0;
	s5 =	sadd.s32 s5, s31;
	s6 =	sadd.s32 s6, s7;
	s9 =	simm.s32 $0x10000  }
0xe: {  	v8 =	vor.u32 $0x70, v0;
	v11 =	vmul.u32 $0x80, v0;
	v9 =	vor.u32 $0xF, v9;
	s10 =	simm.s32 $0x10200;
	s7 =	smax.u32 s8, $0x1;
	s8 =	simm.s32 $0x1  }
.LBB2_1:
0xf: {  	[tilespmem:s2], [sflag:$0x1] =	stream.linear.gather [hbm4b:s3+s2], $0x10000, $0x38;
	[tilespmem:$0x10600] =	vst v63  }
0x10: {  	_ =	swait.ge [sflag:s8], $0x10000  }
0x11: {  	[sflag:s8] =	ssyncset.done $0x0  }
0x12: {  	[sflag:s8] =	ssyncadd.s32 $0xFFFF0000  }
0x13: {  	[tilespmem:s9], [sflag:$0x1] =	stream.linear.gather [hbm4b:s4+s2], $0x200, $0x38;
	[tilespmem:$0x10600] =	vst v63  }
0x14: {  	_ =	swait.ge [sflag:s8], $0x200  }
0x15: {  	[sflag:s8] =	ssyncset.done $0x0  }
0x16: {  	[sflag:s8] =	ssyncadd.s32 $0xFFFFFE00  }
0x17: {  	[tilespmem:s10], [sflag:$0x1] =	stream.linear.gather [hbm4b:s5+s2], $0x200, $0x38;
	[tilespmem:$0x10600] =	vst v63  }
0x18: {  	_ =	swait.ge [sflag:s8], $0x200  }
0x19: {  	[sflag:s8] =	ssyncset.done $0x0  }
0x1a: {  	s15 =	simm.s32 $0x80;
	v12 =	vimm.f32 $0.0e+00;
	v13 =	vimm.f32 $0.0e+00;
	s16 =	simm.s32 $0x0;
	[sflag:s8] =	ssyncadd.s32 $0xFFFFFE00  }
.LBB2_2:
0x1b: {  	[tilespmem:$0x10400] =	vst v1  }
0x1c: {  	[tilespmem:$0x10410] =	vst v1  }
0x1d: {  	[tilespmem:$0x10420] =	vst v1  }
0x1e: {  	[tilespmem:$0x10430] =	vst v1  }
0x1f: {  	[tilespmem:$0x10440] =	vst v1  }
0x20: {  	[tilespmem:$0x10450] =	vst v1  }
0x21: {  	[tilespmem:$0x10460] =	vst v1;
	s17 =	sshll.u32 s16, $0x4  }
0x22: {  	[tilespmem:$0x10470] =	vst v1;
	s18 =	simm.s32 $0x0;
	s19 =	simm.s32 $0x10490;
	s20 =	smov.u32 s15  }
.LBB2_3:
0x23: {  	v14 =	vld [tilespmem:s20+$0xFFFFFF80]  }
0x24: {  	v15 =	vld [tilespmem:s20+$0xFFFFFF90]  }
0x25: {  	v16 =	vld [tilespmem:s20+$0xFFFFFFA0]  }
0x26: {  	v17 =	vld [tilespmem:s20+$0xFFFFFFB0]  }
0x27: {  	v18 =	vld [tilespmem:s20+$0xFFFFFFC0]  }
0x28: {  	v19 =	vld [tilespmem:s20+$0xFFFFFFD0];
	(xrf1) =	vsort.dscd.msk.f32 $0xffff, v14, v0  }
0x29: {  	v20 =	vld [tilespmem:s20+$0xFFFFFFE0];
	(xrf1) =	vsort.ascd.msk.f32 $0xffff, v15, v2  }
0x2a: {  	v21 =	vld [tilespmem:s20+$0xFFFFFFF0];
	(xrf1) =	vsort.dscd.msk.f32 $0xffff, v16, v3  }
0x2b: {  	(xrf1) =	vsort.ascd.msk.f32 $0xffff, v17, v4  }
0x2c: {  	(xrf1) =	vsort.dscd.msk.f32 $0xffff, v18, v5  }
0x2d: {  	(xrf1) =	vsort.ascd.msk.f32 $0xffff, v19, v6  }
0x2e: {  	(xrf1) =	vsort.dscd.msk.f32 $0xffff, v20, v7  }
0x2f: {  	(xrf1) =	vsort.ascd.msk.f32 $0xffff, v21, v8;
	_ =	sdelay $0x6  }
0x30: {  	v22, v23, _ =	vpop (xrf1)  }
0x31: {  	v24, v25, _ =	vpop (xrf1)  }
0x32: {  	v26, v27, _ =	vpop (xrf1)  }
0x33: {  	v28, v29, _ =	vpop (xrf1)  }
0x34: {  	vm0 =	vge.f32 v22, v24;
	v30, v31, _ =	vpop (xrf1)  }
0x35: {  	v22 =	vmax.f32 v22, v24;
	v23 =	vsel vm0, v23, v25;
	v56, v32, _ =	vpop (xrf1)  }
0x36: {  	vm15 =	vge.f32 v26, v28;
	v57 =	vmax.f32 v26, v28;
	(xrf1) =	vsort.dscd.msk.f32 $0xffff, v22, v23;
	v26, v28, _ =	vpop (xrf1)  }
0x37: {  	v27 =	vsel vm15, v27, v29;
	vm4 =	vge.f32 v30, v56;
	v25 =	vmax.f32 v30, v56;
	v58, v59, _ =	vpop (xrf1)  }
0x38: {  	(xrf1) =	vsort.ascd.msk.f32 $0xffff, v57, v27;
	v60 =	vsel vm4, v31, v32;
	vm5 =	vge.f32 v26, v58  }
0x39: {  	v61 =	vmax.f32 v26, v58;
	(xrf1) =	vsort.dscd.msk.f32 $0xffff, v25, v60;
	v62 =	vsel vm5, v28, v59  }
0x3a: {  	(xrf1) =	vsort.ascd.msk.f32 $0xffff, v61, v62;
	_ =	sdelay $0xa  }
0x3b: {  	v63, v32, _ =	vpop (xrf1)  }
0x3c: {  	v34, v33, _ =	vpop (xrf1)  }
0x3d: {  	v36, v35, _ =	vpop (xrf1)  }
0x3e: {  	vm6 =	vge.f32 v63, v34;
	v38, v37, _ =	vpop (xrf1)  }
0x3f: {  	v22 =	vmax.f32 v63, v34;
	v23 =	vsel vm6, v32, v33;
	vm7 =	vge.f32 v36, v38  }
0x40: {  	v14 =	vmul.f32 $1.442695020e+00, v14;
	(xrf1) =	vsort.dscd.msk.f32 $0xffff, v22, v23;
	v39 =	vmax.f32 v36, v38;
	v40 =	vsel vm7, v35, v37  }
0x41: {  	v15 =	vmul.f32 $1.442695020e+00, v15;
	(xrf1) =	vsort.ascd.msk.f32 $0xffff, v39, v40  }
0x42: {  	(erf) = vpow2.f32 v14;
	v14 =	vmul.f32 $1.442695020e+00, v16  }
0x43: {  	(erf) = vpow2.f32 v15  }
0x44: {  	(erf) = vpow2.f32 v14;
	v14 =	vmul.f32 $1.442695020e+00, v17  }
0x45: {  	v15 =	vmul.f32 $1.442695020e+00, v18  }
0x46: {  	(erf) = vpow2.f32 v14;
	v14 =	vmul.f32 $1.442695020e+00, v19  }
0x47: {  	(erf) = vpow2.f32 v15;
	v15 =	vmul.f32 $1.442695020e+00, v20  }
0x48: {  	(erf) = vpow2.f32 v14;
	v14 =	vmul.f32 $1.442695020e+00, v21;
	_ =	sdelay $0x1  }
0x49: {  	(erf) = vpow2.f32 v15  }
0x4a: {  	v15 =	vpop (erf);
	(erf) = vpow2.f32 v14  }
0x4b: {  	v14 =	vpop (erf)  }
0x4c: {  	v41 =	vpop (erf)  }
0x4d: {  	v42, v43, _ =	vpop (xrf1)  }
0x4e: {  	v44, v45, _ =	vpop (xrf1)  }
0x4f: {  	v46 =	vpop (erf);
	vm8 =	vge.f32 v42, v44  }
0x50: {  	v47 =	vpop (erf);
	v17 =	vmax.f32 v42, v44;
	v18 =	vsel vm8, v43, v45  }
0x51: {  	v48 =	vpop (erf);
	(xrf1) =	vsort.dscd.msk.f32 $0xffff, v17, v18  }
0x52: {  	v49 =	vpop (erf)  }
0x53: {  	v14 =	vadd.f32 v14, v15;
	v15 =	vadd.f32 v46, v41;
	v50 =	vpop (erf)  }
0x54: {  	v51 =	vadd.f32 v48, v47;
	v17 =	vadd.f32 v50, v49;
	_ =	sdelay $0x1  }
0x55: {  	v14 =	vadd.f32 v15, v14;
	v15 =	vadd.f32 v17, v51;
	_ =	sdelay $0x1  }
0x56: {  	v14 =	vadd.f32 v15, v14;
	_ =	sdelay $0x1  }
0x57: {  	(xrf2) =	vadd.scan.msk.f32 $0xffff, v14;
	_ =	sdelay $0x4  }
0x58: {  	v14, v15, _ =	vpop (xrf1)  }
0x59: {  	v15 =	vand.u32 $0xFFFFFFF0, v15  }
0x5a: {  	v15 =	vor.u32 s18, v15;
	_ =	sdelay $0x2  }
0x5b: {  	v52, _, _ =	vpop (xrf2)  }
0x5c: {  	[tilespmem:s19+$0xFFFFFFF0] =	vst v52  }
0x5d: {  	[tilespmem:v15+s11+$0x0] =	vst.idx.add.f32.msk $0x1f, v14  }
0x5e: {  	v14 =	vld [tilespmem:s20+$0x0]  }
0x5f: {  	v15 =	vld [tilespmem:s20+$0x10]  }
0x60: {  	v16 =	vld [tilespmem:s20+$0x20]  }
0x61: {  	v53 =	vld [tilespmem:s20+$0x30]  }
0x62: {  	v54 =	vld [tilespmem:s20+$0x40]  }
0x63: {  	v55 =	vld [tilespmem:s20+$0x50];
	(xrf1) =	vsort.dscd.msk.f32 $0xffff, v14, v0  }
0x64: {  	v56 =	vld [tilespmem:s20+$0x60];
	(xrf1) =	vsort.ascd.msk.f32 $0xffff, v15, v2  }
0x65: {  	v57 =	vld [tilespmem:s20+$0x70];
	(xrf1) =	vsort.dscd.msk.f32 $0xffff, v16, v3  }
0x66: {  	(xrf1) =	vsort.ascd.msk.f32 $0xffff, v53, v4  }
0x67: {  	(xrf1) =	vsort.dscd.msk.f32 $0xffff, v54, v5  }
0x68: {  	(xrf1) =	vsort.ascd.msk.f32 $0xffff, v55, v6  }
0x69: {  	(xrf1) =	vsort.dscd.msk.f32 $0xffff, v56, v7  }
0x6a: {  	(xrf1) =	vsort.ascd.msk.f32 $0xffff, v57, v8;
	_ =	sdelay $0x6  }
0x6b: {  	v59, v58, _ =	vpop (xrf1)  }
0x6c: {  	v24, v25, _ =	vpop (xrf1)  }
0x6d: {  	v60, v61, _ =	vpop (xrf1);
	vm9 =	vge.f32 v59, v24  }
0x6e: {  	v62, v63, _ =	vpop (xrf1);
	v23 =	vsel vm9, v58, v25  }
0x6f: {  	v22 =	vmax.f32 v59, v24;
	v37, v36, _ =	vpop (xrf1)  }
0x70: {  	v39, v38, _ =	vpop (xrf1)  }
0x71: {  	vm10 =	vge.f32 v60, v62;
	v40 =	vmax.f32 v60, v62;
	(xrf1) =	vsort.dscd.msk.f32 $0xffff, v22, v23;
	v43, v42, _ =	vpop (xrf1)  }
0x72: {  	v41 =	vsel vm10, v61, v63;
	vm11 =	vge.f32 v37, v39;
	v25 =	vmax.f32 v37, v39;
	v22, v23, _ =	vpop (xrf1)  }
0x73: {  	(xrf1) =	vsort.ascd.msk.f32 $0xffff, v40, v41;
	v44 =	vsel vm11, v36, v38;
	vm12 =	vge.f32 v43, v22  }
0x74: {  	v22 =	vmax.f32 v43, v22;
	(xrf1) =	vsort.dscd.msk.f32 $0xffff, v25, v44;
	v23 =	vsel vm12, v42, v23  }
0x75: {  	(xrf1) =	vsort.ascd.msk.f32 $0xffff, v22, v23;
	_ =	sdelay $0xa  }
0x76: {  	v22, v23, _ =	vpop (xrf1)  }
0x77: {  	v24, v45, _ =	vpop (xrf1)  }
0x78: {  	v46, v47, _ =	vpop (xrf1)  }
0x79: {  	vm13 =	vge.f32 v22, v24;
	v48, v49, _ =	vpop (xrf1)  }
0x7a: {  	v22 =	vmax.f32 v22, v24;
	v23 =	vsel vm13, v23, v45;
	vm14 =	vge.f32 v46, v48  }
0x7b: {  	v14 =	vmul.f32 $1.442695020e+00, v14;
	(xrf1) =	vsort.dscd.msk.f32 $0xffff, v22, v23;
	v50 =	vmax.f32 v46, v48;
	v51 =	vsel vm14, v47, v49  }
0x7c: {  	v15 =	vmul.f32 $1.442695020e+00, v15;
	(xrf1) =	vsort.ascd.msk.f32 $0xffff, v50, v51  }
0x7d: {  	(erf) = vpow2.f32 v14;
	v14 =	vmul.f32 $1.442695020e+00, v16  }
0x7e: {  	(erf) = vpow2.f32 v15  }
0x7f: {  	(erf) = vpow2.f32 v14;
	v14 =	vmul.f32 $1.442695020e+00, v53  }
0x80: {  	v15 =	vmul.f32 $1.442695020e+00, v54  }
0x81: {  	(erf) = vpow2.f32 v14;
	v14 =	vmul.f32 $1.442695020e+00, v55  }
0x82: {  	(erf) = vpow2.f32 v15;
	v15 =	vmul.f32 $1.442695020e+00, v56  }
0x83: {  	(erf) = vpow2.f32 v14;
	v14 =	vmul.f32 $1.442695020e+00, v57;
	_ =	sdelay $0x1  }
0x84: {  	(erf) = vpow2.f32 v15  }
0x85: {  	v15 =	vpop (erf);
	(erf) = vpow2.f32 v14  }
0x86: {  	v14 =	vpop (erf)  }
0x87: {  	v52 =	vpop (erf)  }
0x88: {  	v53, v54, _ =	vpop (xrf1)  }
0x89: {  	v55, v56, _ =	vpop (xrf1)  }
0x8a: {  	v57 =	vpop (erf);
	vm15 =	vge.f32 v53, v55  }
0x8b: {  	v58 =	vpop (erf);
	v17 =	vmax.f32 v53, v55;
	v18 =	vsel vm15, v54, v56  }
0x8c: {  	v59 =	vpop (erf);
	(xrf1) =	vsort.dscd.msk.f32 $0xffff, v17, v18  }
0x8d: {  	v60 =	vpop (erf)  }
0x8e: {  	v14 =	vadd.f32 v14, v15;
	v15 =	vadd.f32 v57, v52;
	v61 =	vpop (erf)  }
0x8f: {  	v62 =	vadd.f32 v59, v58;
	v17 =	vadd.f32 v61, v60;
	_ =	sdelay $0x1  }
0x90: {  	v14 =	vadd.f32 v15, v14;
	v15 =	vadd.f32 v17, v62;
	_ =	sdelay $0x1  }
0x91: {  	v14 =	vadd.f32 v15, v14;
	_ =	sdelay $0x1  }
0x92: {  	(xrf2) =	vadd.scan.msk.f32 $0xffff, v14;
	_ =	sdelay $0x4  }
0x93: {  	v14, v15, _ =	vpop (xrf1)  }
0x94: {  	s21 =	sadd.s32 $0x1, s18;
	v15 =	vand.u32 $0xFFFFFFF0, v15  }
0x95: {  	p0 =	sne.s32 s18, $0xE;
	v15 =	vor.u32 s21, v15  }
.Ltmp0:
0x96: {  	_ = 	snop;
	(pc) =	sbr.rel @p0 .LBB2_3-.Ltmp0, $4  }
0x97: {  	_ = 	snop  }
0x98: {  	v63, _, _ =	vpop (xrf2)  }
0x99: {  	[tilespmem:s19+$0x0] =	vst v63  }
0x9a: {  	s18 =	sadd.s32 $0x2, s18;
	s20 =	sadd.s32 $0x100, s20;
	s19 =	sadd.s32 $0x20, s19;
	[tilespmem:v15+s11+$0x0] =	vst.idx.add.f32.msk $0x1f, v14  }
0x9b: {  	_ =	sdelay $0x3  }
0x9c: {  	v14 =	vld.idx.msk [tilespmem:v9+s12+$0x0], $0xffff  }
0x9d: {  	v15 =	vld.idx.msk [tilespmem:v0+s11+$0x0], $0xffff  }
0x9e: {  	v16 =	vld.idx.msk [tilespmem:v2+s11+$0x0], $0xffff  }
0x9f: {  	v17 =	vld.idx.msk [tilespmem:v3+s11+$0x0], $0xffff  }
0xa0: {  	v18 =	vld.idx.msk [tilespmem:v4+s11+$0x0], $0xffff  }
0xa1: {  	v19 =	vld.idx.msk [tilespmem:v5+s11+$0x0], $0xffff  }
0xa2: {  	v20 =	vld.idx.msk [tilespmem:v6+s11+$0x0], $0xffff  }
0xa3: {  	v21 =	vld.idx.msk [tilespmem:v7+s11+$0x0], $0xffff  }
0xa4: {  	v22 =	vld.idx.msk [tilespmem:v8+s11+$0x0], $0xffff;
	_ =	sdelay $0x3  }
0xa5: {  	v23 =	vand.u32 $0x7FFFFF, v14;
	v24 =	vmax.f32 v15, v16;
	v25 =	vmax.f32 v17, v18  }
0xa6: {  	v26 =	vmax.f32 v19, v20;
	v27 =	vmax.f32 v21, v22;
	v23 =	vor.u32 $0x3F800000, v23  }
0xa7: {  	v24 =	vmax.f32 v24, v25;
	v30 =	vmax.f32 v26, v27;
	v31 =	vmul.f32 $5.000000000e-01, v23  }
0xa8: {  	v24 =	vmax.f32 v24, v30;
	vm0 =	vgt.f32 v23, $1.414213540e+00  }
0xa9: {  	v15 =	vsub.f32 v15, v24;
	v23 =	vsel vm0, v31, v23  }
0xaa: {  	v16 =	vsub.f32 v16, v24;
	v32 =	vadd.f32 $1.000000000e+00, v23  }
0xab: {  	v17 =	vsub.f32 v17, v24;
	v15 =	vmul.f32 $1.442695020e+00, v15  }
0xac: {  	v18 =	vsub.f32 v18, v24;
	v16 =	vmul.f32 $1.442695020e+00, v16;
	(erf) = vrcp.f32 v32  }
0xad: {  	v33 =	vsub.f32 v19, v24;
	(erf) = vpow2.f32 v15;
	v15 =	vmul.f32 $1.442695020e+00, v17  }
0xae: {  	v35 =	vsub.f32 v20, v24;
	v34 =	vmul.f32 $1.442695020e+00, v18;
	(erf) = vpow2.f32 v16  }
0xaf: {  	v36 =	vsub.f32 v21, v24;
	(erf) = vpow2.f32 v15;
	v15 =	vmul.f32 $1.442695020e+00, v33  }
0xb0: {  	v38 =	vsub.f32 v22, v24;
	v37 =	vmul.f32 $1.442695020e+00, v35;
	(erf) = vpow2.f32 v34  }
0xb1: {  	(erf) = vpow2.f32 v15;
	v15 =	vmul.f32 $1.442695020e+00, v36  }
0xb2: {  	v39 =	vmul.f32 $1.442695020e+00, v38;
	(erf) = vpow2.f32 v37  }
0xb3: {  	(erf) = vpow2.f32 v15  }
0xb4: {  	(erf) = vpow2.f32 v39  }
0xb5: {  	v15 =	vpop (erf)  }
0xb6: {  	v40 =	vpop (erf)  }
0xb7: {  	v41 =	vpop (erf)  }
0xb8: {  	v42 =	vpop (erf)  }
0xb9: {  	v43 =	vpop (erf)  }
0xba: {  	v44 =	vpop (erf)  }
0xbb: {  	v45 =	vpop (erf)  }
0xbc: {  	v46 =	vpop (erf)  }
0xbd: {  	v16 =	vadd.f32 v41, v40;
	v48 =	vadd.f32 v43, v42;
	v47 =	vpop (erf)  }
0xbe: {  	v49 =	vadd.f32 v45, v44;
	v50 =	vadd.f32 v47, v46;
	_ =	sdelay $0x1  }
0xbf: {  	v16 =	vadd.f32 v48, v16;
	v51 =	vadd.f32 v50, v49;
	_ =	sdelay $0x1  }
0xc0: {  	v16 =	vadd.f32 v51, v16;
	_ =	sdelay $0x1  }
0xc1: {  	v17 =	vand.u32 $0x7FFFFF, v16  }
0xc2: {  	v17 =	vor.u32 $0x3F800000, v17  }
0xc3: {  	v52 =	vmul.f32 $5.000000000e-01, v17  }
0xc4: {  	vm1 =	vgt.f32 v17, $1.414213540e+00  }
0xc5: {  	v17 =	vsel vm1, v52, v17  }
0xc6: {  	v18 =	vadd.f32 $1.000000000e+00, v17;
	_ =	sdelay $0x1  }
0xc7: {  	(erf) = vrcp.f32 v18;
	_ =	sdelay $0x7  }
0xc8: {  	v17 =	vadd.f32 $-1.000000000e+00, v17  }
0xc9: {  	v54 =	vpop (erf)  }
0xca: {  	v53 =	vadd.f32 $-1.000000000e+00, v23;
	v17 =	vmul.f32 v54, v17;
	_ =	sdelay $0x1  }
0xcb: {  	v15 =	vmul.f32 v15, v53;
	v19 =	vmul.f32 v17, v17;
	_ =	sdelay $0x1  }
0xcc: {  	v18 =	vmul.f32 v15, v15;
	v56 =	vmul.f32 $1.111111120e-01, v19;
	_ =	sdelay $0x1  }
0xcd: {  	v55 =	vmul.f32 $1.111111120e-01, v18;
	v21 =	vadd.f32 $1.428571490e-01, v56  }
0xce: {  	v57 =	vld [tilespmem:s17+$0x10000]  }
0xcf: {  	v58 =	vld [tilespmem:s17+$0x10200];
	v20 =	vadd.f32 $1.428571490e-01, v55;
	v21 =	vmul.f32 v21, v19;
	_ =	sdelay $0x1  }
0xd0: {  	v20 =	vmul.f32 v20, v18;
	v21 =	vadd.f32 $2.000000030e-01, v21  }
0xd1: {  	s31 =	sshll.u32 s16, $0xB;
	v14 =	vshra.s32 v14, $0x17;
	v59 =	vsel vm0, $0x1, v10  }
0xd2: {  	v22 =	vadd.s32 s31, v57;
	v20 =	vadd.f32 $2.000000030e-01, v20;
	v21 =	vmul.f32 v21, v19  }
0xd3: {  	v14 =	vadd.s32 v59, v14;
	v23 =	vshll.u32 v58, $0x4;
	v16 =	vshra.s32 v16, $0x17  }
0xd4: {  	v60 =	vsel vm1, $0x1, v10;
	v20 =	vmul.f32 v20, v18;
	v21 =	vadd.f32 $3.333333430e-01, v21  }
0xd5: {  	v22 =	vadd.s32 v11, v22;
	v61 =	vor.u32 v0, v23;
	v16 =	vadd.s32 v60, v16  }
0xd6: {  	v16 =	vadd.s32 $0xFFFFFF81, v16;
	v20 =	vadd.f32 $3.333333430e-01, v20;
	v19 =	vmul.f32 v21, v19  }
0xd7: {  	v14 =	vadd.s32 $0xFFFFFF81, v14;
	v16 =	vcvt.s32.f32 v16  }
0xd8: {  	v17 =	vadd.f32 v17, v17;
	v18 =	vmul.f32 v20, v18;
	v19 =	vadd.f32 $1.000000000e+00, v19  }
0xd9: {  	v14 =	vcvt.s32.f32 v14;
	v15 =	vadd.f32 v15, v15  }
0xda: {  	v62 =	vld.idx.msk [tilespmem:v22+s2+$0x0], $0xffff;
	v16 =	vmul.f32 $6.931471820e-01, v16;
	v18 =	vadd.f32 $1.000000000e+00, v18;
	v17 =	vmul.f32 v19, v17  }
0xdb: {  	v63 =	vld.idx.msk [tilespmem:v61+s11+$0x0], $0xffff  }
0xdc: {  	s16 =	sadd.s32 $0x1, s16;
	v14 =	vmul.f32 $6.931471820e-01, v14;
	v15 =	vmul.f32 v18, v15;
	v16 =	vadd.f32 v17, v16  }
0xdd: {  	p0 =	sne.s32 s16, $0x20  }
.Ltmp1:
0xde: {  	v14 =	vadd.f32 v15, v14;
	v15 =	vadd.f32 v16, v24;
	(pc) =	sbr.rel @p0 .LBB2_2-.Ltmp1, $3  }
0xdf: {  	_ = 	snop  }
0xe0: {  	v14 =	vsub.f32 v14, v62;
	v15 =	vsub.f32 v15, v63;
	_ =	sdelay $0x1  }
0xe1: {  	s15 =	sadd.s32 $0x800, s15;
	v13 =	vadd.f32 v14, v13;
	v12 =	vadd.f32 v15, v12  }
0xe2: {  	_ = 	snop  }
0xe3: {  	v13 =	vmul.f32 $6.000000240e-01, v13;
	v12 =	vmul.f32 $4.000000060e-01, v12;
	_ =	sdelay $0x1  }
0xe4: {  	s14 =	sadd.s32 $0x1, s14;
	v12 =	vadd.f32 v12, v13  }
0xe5: {  	p0 =	sne.s32 s14, s7  }
.Ltmp2:
0xe6: {  	[tilespmem:$0x10580] =	vst v12;
	(pc) =	sbr.rel @p0 .LBB2_1-.Ltmp2, $4  }
0xe7: {  	[hbm4b:s6+s2] =	stream.linear.scatter [tilespmem:s13], [sflag:$0x1], $0x80, $0x38;
	[tilespmem:$0x10600] =	vst v63  }
0xe8: {  	_ =	swait.ge [sflag:s8], $0x80  }
0xe9: {  	[sflag:s8] =	ssyncset.done $0x0  }
0xea: {  	[sflag:s8] =	ssyncadd.s32 $0xFFFFFF80  }
0xeb: {  	_ =	sfence.sel $0x180000  }
0xec: {  	[bflag:$0x0] =	sbarrier.arrive $0xFFFF  }
0xed: {  	p0 =	sne.s32 s1, $0x0;
	_ =	strace $0x90000047  }
0xee: {  	s0 =	sadd.s32 @!p0 $0x100000, s0;
	[bflag:$0x2] =	sbarrier.arrive $0xFFFF  }
0xef: {  	[sflag:s0] =	ssyncadd.tile.s32 @!p0 $0x1;
	_ =	shalt  }
.Lfunc_end2:
_tile_overlayer_lowered:
.L_overlay_start_2:
0xf0: {  	(tag) =	ssettag $0x2  }
0xf1: {  	s0 =	rddreg [dreg:$0x0];
	s2 =	stileid.u32  }
0xf2: {  	s1 =	rddreg [dreg:$0x1];
	p0 =	sne.s32 s2, $0x0  }
0xf3: {  	s3 =	rddreg [dreg:$0x2];
	[bflag:$0x3] =	sbarrier.arrive $0xFFFF;
	s2 =	simm.s32 @!p0 $0x1C01  }
0xf4: {  	[timem:s3], [sflag:s2] =	dma.local @!p0 [hbm:s0], s1  }
0xf5: {  	s0 =	simm.s32 @!p0 $0x1  }
0xf6: {  	_ =	swait.ge @!p0 [sflag:s0], s1  }
0xf7: {  	s1 =	ssub.s32 @!p0 $0x0, s1;
	[sflag:s0] =	ssyncset.done @!p0 $0x0  }
0xf8: {  	[sflag:s0] =	ssyncadd.s32 @!p0 s1  }
0xf9: {  	[bflag:$0x3] =	sbarrier.arrive $0xFFFF  }
0xfa: {  	_ =	shalt  }

</sc_bundles>
